<compile_context>
chip_gen: v7x
topology: tpu7x:2x2x1
jax: 0.10.2.dev20260603
libtpu: 0.0.44.dev20260713+nightly
codegen_flags: <defaults>
</compile_context>

<pallas_src>
import functools

import jax
import jax.numpy as jnp
from jax import lax
from jax.experimental import pallas as pl
from jax.experimental.pallas import tpu as pltpu
from jax.experimental.pallas import tpu_sc as plsc

_N = 640000
_D = 128
_NW = 32
_BLK = 5120
_CH = _D
_NCHB = _BLK // _CH
_NBLK = _N // _BLK
_BLK_PER_W = -(-_NBLK // _NW)


def _combo_body(w0_ref, w1_ref, w2_ref, combo_ref):
    c01 = (w0_ref[...][:, None, :] + w1_ref[...][None, :, :]).reshape(30, _D)
    combo_ref[...] = (c01[:, None, :] + w2_ref[...][None, :, :]).reshape(60, _D)


def _build_combo(W0, W1, W2):
    return pl.pallas_call(
        _combo_body,
        out_shape=jax.ShapeDtypeStruct((60, _D), jnp.float32),
    )(W0, W1, W2)


@functools.partial(
    pl.kernel,
    out_type=jax.ShapeDtypeStruct((_N, _D), jnp.float32),
    mesh=plsc.VectorSubcoreMesh(core_axis_name="c", subcore_axis_name="s"),
    scratch_types=[
        pltpu.VMEM((_BLK,), jnp.int32),
        pltpu.VMEM((_BLK,), jnp.int32),
        pltpu.VMEM((_BLK,), jnp.int32),
        pltpu.VMEM((_BLK // _D, _D), jnp.int32),
        pltpu.VMEM((_D, _D), jnp.float32),
        pltpu.VMEM((_D, _D), jnp.float32),
        pltpu.VMEM_SHARED((60, _D), jnp.float32),
        pltpu.SemaphoreType.DMA,
        pltpu.SemaphoreType.DMA,
        pltpu.SemaphoreType.DMA,
        pltpu.SemaphoreType.DMA,
    ],
)
def _sc_lookup(e0, e1, e2, combo, out, e0_v, e1_v, e2_v, c_v,
               rows_a, rows_b, combo_sh, sem_ga, sem_gb, sem_oa, sem_ob):
    sid = lax.axis_index("s")
    wid = sid * 2 + lax.axis_index("c")
    rows_bufs = (rows_a, rows_b)
    sems_g = (sem_ga, sem_gb)
    sems_o = (sem_oa, sem_ob)

    @pl.when(sid == 0)
    def _stage():
        pltpu.sync_copy(combo, combo_sh)

    plsc.subcore_barrier()

    def gather_start(j, buf):
        return pltpu.async_copy(
            combo_sh.at[c_v.at[j]], rows_bufs[buf], sems_g[buf])

    def out_start(bid, j, buf):
        row = bid * _BLK + j * _CH
        return pltpu.async_copy(
            rows_bufs[buf], out.at[pl.ds(row, _CH)], sems_o[buf])

    def blk_body(ib, carry):
        bid = ib * _NW + wid

        @pl.when(bid < _NBLK)
        def _run():
            base_b = bid * _BLK
            pltpu.sync_copy(e0.at[pl.ds(base_b, _BLK)], e0_v)
            pltpu.sync_copy(e1.at[pl.ds(base_b, _BLK)], e1_v)
            pltpu.sync_copy(e2.at[pl.ds(base_b, _BLK)], e2_v)

            def c_body(i, c2):
                s = pl.ds(i * 16, 16)
                c_v[i // 8, pl.ds((i % 8) * 16, 16)] = (
                    e0_v[s] * 12 + e1_v[s] * 2 + e2_v[s])
                return c2

            lax.fori_loop(0, _BLK // 16, c_body, 0)

            gd = [None, None]
            od = [None, None]
            gd[0] = gather_start(0, 0)
            for j in range(1, _NCHB):
                buf, prev = j % 2, (j - 1) % 2
                if j >= 2:
                    od[buf].wait()
                gd[buf] = gather_start(j, buf)
                gd[prev].wait()
                od[prev] = out_start(bid, j - 1, prev)
            last = (_NCHB - 1) % 2
            gd[last].wait()
            od[last] = out_start(bid, _NCHB - 1, last)
            od[1 - last].wait()
            od[last].wait()

        return carry

    lax.fori_loop(0, _BLK_PER_W, blk_body, 0)


def kernel(edge_attr, W0, W1, W2):
    ea = edge_attr.astype(jnp.int32)
    combo = _build_combo(W0, W1, W2)
    return _sc_lookup(ea[:, 0], ea[:, 1], ea[:, 2], combo)

# --- scband reference (transcript-rebuilt; emitter-appended) ---
"""Pipeline reference for scband-bond-encoder-8641474199807 (READ-ONLY COPY).

The authoritative reference and input builder live on the scoring server;
editing this copy changes nothing except your own understanding.
"""

import jax, jax.numpy as jnp
import numpy as np

FULL_BOND_FEATURE_DIMS = [5, 6, 2]
EMB_DIM = 128
N_EDGES = 640000


def _xavier_uniform(key, shape, dtype=jnp.float32):
    fan_in, fan_out = shape[0], shape[1]
    a = float(np.sqrt(6.0 / (fan_in + fan_out)))
    return jax.random.uniform(key, shape, dtype=dtype, minval=-a, maxval=a)


def setup_inputs(seed: int = 0) -> dict:
    key = jax.random.key(seed)
    k_idx, k0, k1, k2 = jax.random.split(key, 4)
    edge_attr = jax.random.randint(k_idx, (N_EDGES, 3), 0, 2, dtype=jnp.int64)
    W0 = _xavier_uniform(k0, (FULL_BOND_FEATURE_DIMS[0], EMB_DIM))
    W1 = _xavier_uniform(k1, (FULL_BOND_FEATURE_DIMS[1], EMB_DIM))
    W2 = _xavier_uniform(k2, (FULL_BOND_FEATURE_DIMS[2], EMB_DIM))
    return {"edge_attr": edge_attr, "W0": W0, "W1": W1, "W2": W2}


def reference(edge_attr, W0, W1, W2):
    tables = [W0, W1, W2]
    bond_embedding = jnp.zeros((edge_attr.shape[0], tables[0].shape[1]), dtype=tables[0].dtype)
    for i in range(edge_attr.shape[1]):
        idx = edge_attr[:, i].astype(jnp.int32)
        bond_embedding = bond_embedding + jnp.take(tables[i], idx, axis=0)
    return bond_embedding

if __name__ == "__main__":
    import jax
    _d = setup_inputs()
    print(jax.jit(kernel)(*tuple(_d.values())))

</pallas_src>

<mosaic_0001>
#map = affine_map<(d0, d1) -> (0)>
#map1 = affine_map<(d0, d1) -> (0, 0)>
module attributes {stable_mosaic.version = 14 : i64} {
  func.func @_sc_lookup(%arg0: i32, %arg1: i32, %arg2: memref<640000xi32, #tpu.memory_space<hbm>>, %arg3: memref<640000xi32, #tpu.memory_space<hbm>>, %arg4: memref<640000xi32, #tpu.memory_space<hbm>>, %arg5: memref<60x128xf32, #tpu.memory_space<hbm>>, %arg6: memref<640000x128xf32, #tpu.memory_space<hbm>>, %arg7: memref<5120xi32, #tpu.memory_space<vmem>>, %arg8: memref<5120xi32, #tpu.memory_space<vmem>>, %arg9: memref<5120xi32, #tpu.memory_space<vmem>>, %arg10: memref<40x128xi32, #tpu.memory_space<vmem>>, %arg11: memref<128x128xf32, #tpu.memory_space<vmem>>, %arg12: memref<128x128xf32, #tpu.memory_space<vmem>>, %arg13: memref<60x128xf32, #tpu.memory_space<vmem_shared>>, %arg14: memref<!tpu.dma_semaphore, #tpu.memory_space<semaphore_mem>>, %arg15: memref<!tpu.dma_semaphore, #tpu.memory_space<semaphore_mem>>, %arg16: memref<!tpu.dma_semaphore, #tpu.memory_space<semaphore_mem>>, %arg17: memref<!tpu.dma_semaphore, #tpu.memory_space<semaphore_mem>>) attributes {dimension_semantics = [#tpu.dimension_semantics<core_parallel>, #tpu.dimension_semantics<subcore_parallel>], iteration_bounds = array<i64: 2, 16>, scalar_prefetch = 0 : i64, scratch_operands = 11 : i64, tpu.core_type = #tpu.core_type<sc_vector_subcore>, window_params = [{transform_indices = #map}, {transform_indices = #map}, {transform_indices = #map}, {transform_indices = #map1}, {transform_indices = #map1}]} {
    %mul3A = arith.constant 2 : i32
    %mul3A_0 = arith.muli %arg1, %mul3A : i32
    %add3A = arith.addi %mul3A_0, %arg0 : i32
    %eq3A = arith.constant 0 : i32
    %eq3A_1 = arith.cmpi eq, %arg1, %eq3A : i32
    %convert_element_type3A = arith.extui %eq3A_1 : i1 to i32
    %cond3A = arith.constant 0 : i32
    %cond3A_2 = arith.cmpi ne, %convert_element_type3A, %cond3A : i32
    scf.if %cond3A_2 {
      "tpu.region"() ({
        %run_scoped3A = tpu.sem_alloc : memref<!tpu.dma_semaphore, #tpu.memory_space<semaphore_mem>>
        tpu.enqueue_dma source(%arg5 : memref<60x128xf32, #tpu.memory_space<hbm>>) target(%arg13 : memref<60x128xf32, #tpu.memory_space<vmem_shared>>) target_semaphore(%run_scoped3A : memref<!tpu.dma_semaphore, #tpu.memory_space<semaphore_mem>>)
        tpu.wait_dma2 semaphore(%run_scoped3A : memref<!tpu.dma_semaphore, #tpu.memory_space<semaphore_mem>>) src(%arg5 : memref<60x128xf32, #tpu.memory_space<hbm>>) dst(%arg13 : memref<60x128xf32, #tpu.memory_space<vmem_shared>>)
        tpu.yield
      }) : () -> ()
    } else {
    }
    %barrier3A = arith.constant 0 : index
    tpu.barrier barrier_id(%barrier3A)
    %scan3A = arith.constant 0 : i32
    %scan3A_3 = arith.constant 0 : i32
    %scan3A_4 = arith.constant 4 : i32
    %scan3A_5 = arith.addi %scan3A_3, %scan3A_4 : i32
    %scan3A_6 = arith.constant 1 : i32
    scf.for %scan3A_8 = %scan3A_3 to %scan3A_5 step %scan3A_6  : i32 {
      %mul3A_9 = arith.constant 32 : i32
      %mul3A_10 = arith.muli %scan3A_8, %mul3A_9 : i32
      %add3A_11 = arith.addi %mul3A_10, %add3A : i32
      %lt3A = arith.constant 125 : i32
      %lt3A_12 = arith.cmpi slt, %add3A_11, %lt3A : i32
      %convert_element_type3A_13 = arith.extui %lt3A_12 : i1 to i32
      %cond3A_14 = arith.constant 0 : i32
      %cond3A_15 = arith.cmpi ne, %convert_element_type3A_13, %cond3A_14 : i32
      scf.if %cond3A_15 {
        %mul3A_16 = arith.constant 5120 : i32
        %mul3A_17 = arith.muli %add3A_11, %mul3A_16 : i32
        "tpu.region"() ({
          %run_scoped3A = tpu.sem_alloc : memref<!tpu.dma_semaphore, #tpu.memory_space<semaphore_mem>>
          %dma_start3A_1062 = tpu.memref_slice %arg2[%mul3A_17] : memref<640000xi32, #tpu.memory_space<hbm>> -> memref<5120xi32, #tpu.memory_space<hbm>>
          %dma_start3A_1063 = tpu.memref_slice %arg2[%mul3A_17] : memref<640000xi32, #tpu.memory_space<hbm>> -> memref<5120xi32, #tpu.memory_space<hbm>>
          tpu.enqueue_dma source(%dma_start3A_1063 : memref<5120xi32, #tpu.memory_space<hbm>>) target(%arg7 : memref<5120xi32, #tpu.memory_space<vmem>>) target_semaphore(%run_scoped3A : memref<!tpu.dma_semaphore, #tpu.memory_space<semaphore_mem>>)
          %dma_wait3A_1064 = tpu.memref_slice %arg2[%mul3A_17] : memref<640000xi32, #tpu.memory_space<hbm>> -> memref<5120xi32, #tpu.memory_space<hbm>>
          %dma_wait3A_1065 = tpu.memref_slice %arg2[%mul3A_17] : memref<640000xi32, #tpu.memory_space<hbm>> -> memref<5120xi32, #tpu.memory_space<hbm>>
          tpu.wait_dma2 semaphore(%run_scoped3A : memref<!tpu.dma_semaphore, #tpu.memory_space<semaphore_mem>>) src(%dma_wait3A_1065 : memref<5120xi32, #tpu.memory_space<hbm>>) dst(%arg7 : memref<5120xi32, #tpu.memory_space<vmem>>)
          tpu.yield
        }) : () -> ()
        "tpu.region"() ({
          %run_scoped3A = tpu.sem_alloc : memref<!tpu.dma_semaphore, #tpu.memory_space<semaphore_mem>>
          %dma_start3A_1062 = tpu.memref_slice %arg3[%mul3A_17] : memref<640000xi32, #tpu.memory_space<hbm>> -> memref<5120xi32, #tpu.memory_space<hbm>>
          %dma_start3A_1063 = tpu.memref_slice %arg3[%mul3A_17] : memref<640000xi32, #tpu.memory_space<hbm>> -> memref<5120xi32, #tpu.memory_space<hbm>>
          tpu.enqueue_dma source(%dma_start3A_1063 : memref<5120xi32, #tpu.memory_space<hbm>>) target(%arg8 : memref<5120xi32, #tpu.memory_space<vmem>>) target_semaphore(%run_scoped3A : memref<!tpu.dma_semaphore, #tpu.memory_space<semaphore_mem>>)
          %dma_wait3A_1064 = tpu.memref_slice %arg3[%mul3A_17] : memref<640000xi32, #tpu.memory_space<hbm>> -> memref<5120xi32, #tpu.memory_space<hbm>>
          %dma_wait3A_1065 = tpu.memref_slice %arg3[%mul3A_17] : memref<640000xi32, #tpu.memory_space<hbm>> -> memref<5120xi32, #tpu.memory_space<hbm>>
          tpu.wait_dma2 semaphore(%run_scoped3A : memref<!tpu.dma_semaphore, #tpu.memory_space<semaphore_mem>>) src(%dma_wait3A_1065 : memref<5120xi32, #tpu.memory_space<hbm>>) dst(%arg8 : memref<5120xi32, #tpu.memory_space<vmem>>)
          tpu.yield
        }) : () -> ()
        "tpu.region"() ({
          %run_scoped3A = tpu.sem_alloc : memref<!tpu.dma_semaphore, #tpu.memory_space<semaphore_mem>>
          %dma_start3A_1062 = tpu.memref_slice %arg4[%mul3A_17] : memref<640000xi32, #tpu.memory_space<hbm>> -> memref<5120xi32, #tpu.memory_space<hbm>>
          %dma_start3A_1063 = tpu.memref_slice %arg4[%mul3A_17] : memref<640000xi32, #tpu.memory_space<hbm>> -> memref<5120xi32, #tpu.memory_space<hbm>>
          tpu.enqueue_dma source(%dma_start3A_1063 : memref<5120xi32, #tpu.memory_space<hbm>>) target(%arg9 : memref<5120xi32, #tpu.memory_space<vmem>>) target_semaphore(%run_scoped3A : memref<!tpu.dma_semaphore, #tpu.memory_space<semaphore_mem>>)
          %dma_wait3A_1064 = tpu.memref_slice %arg4[%mul3A_17] : memref<640000xi32, #tpu.memory_space<hbm>> -> memref<5120xi32, #tpu.memory_space<hbm>>
          %dma_wait3A_1065 = tpu.memref_slice %arg4[%mul3A_17] : memref<640000xi32, #tpu.memory_space<hbm>> -> memref<5120xi32, #tpu.memory_space<hbm>>
          tpu.wait_dma2 semaphore(%run_scoped3A : memref<!tpu.dma_semaphore, #tpu.memory_space<semaphore_mem>>) src(%dma_wait3A_1065 : memref<5120xi32, #tpu.memory_space<hbm>>) dst(%arg9 : memref<5120xi32, #tpu.memory_space<vmem>>)
          tpu.yield
        }) : () -> ()
        %scan3A_18 = arith.constant 0 : i32
        %scan3A_19 = arith.constant 0 : i32
        %scan3A_20 = arith.constant 320 : i32
        %scan3A_21 = arith.addi %scan3A_19, %scan3A_20 : i32
        %scan3A_22 = arith.constant 1 : i32
        scf.for %scan3A_1062 = %scan3A_19 to %scan3A_21 step %scan3A_22  : i32 {
          %mul3A_1063 = arith.constant 16 : i32
          %mul3A_1064 = arith.muli %scan3A_1062, %mul3A_1063 : i32
          %get3A = arith.index_cast %mul3A_1064 : i32 to index
          %get3A_1065 = tpu.vector_load %arg7[%get3A] {strides = array<i32>} : memref<5120xi32, #tpu.memory_space<vmem>>, vector<16xi32>,
          %get3A_1066 = vector.shape_cast %get3A_1065 : vector<16xi32> to vector<16xi32>
          %mul3A_1067 = arith.constant 12 : i32
          %mul3A_1068 = vector.broadcast %mul3A_1067 : i32 to vector<16xi32>
          %mul3A_1069 = arith.muli %get3A_1066, %mul3A_1068 : vector<16xi32>
          %get3A_1070 = arith.index_cast %mul3A_1064 : i32 to index
          %get3A_1071 = tpu.vector_load %arg8[%get3A_1070] {strides = array<i32>} : memref<5120xi32, #tpu.memory_space<vmem>>, vector<16xi32>,
          %get3A_1072 = vector.shape_cast %get3A_1071 : vector<16xi32> to vector<16xi32>
          %mul3A_1073 = arith.constant 2 : i32
          %mul3A_1074 = vector.broadcast %mul3A_1073 : i32 to vector<16xi32>
          %mul3A_1075 = arith.muli %get3A_1072, %mul3A_1074 : vector<16xi32>
          %add3A_1076 = arith.addi %mul3A_1069, %mul3A_1075 : vector<16xi32>
          %get3A_1077 = arith.index_cast %mul3A_1064 : i32 to index
          %get3A_1078 = tpu.vector_load %arg9[%get3A_1077] {strides = array<i32>} : memref<5120xi32, #tpu.memory_space<vmem>>, vector<16xi32>,
          %get3A_1079 = vector.shape_cast %get3A_1078 : vector<16xi32> to vector<16xi32>
          %add3A_1080 = arith.addi %add3A_1076, %get3A_1079 : vector<16xi32>
          %jit3A = arith.constant 8 : i32
          %div3A = arith.divsi %scan3A_1062, %jit3A : i32
          %sign3A = arith.constant 0 : i32
          %sign3A_1081 = arith.cmpi sgt, %scan3A_1062, %sign3A : i32
          %sign3A_1082 = arith.extui %sign3A_1081 : i1 to i32
          %sign3A_1083 = arith.constant 0 : i32
          %sign3A_1084 = arith.cmpi slt, %scan3A_1062, %sign3A_1083 : i32
          %sign3A_1085 = arith.extui %sign3A_1084 : i1 to i32
          %sign3A_1086 = arith.subi %sign3A_1082, %sign3A_1085 : i32
          %sign3A_1087 = arith.constant 0 : i32
          %sign3A_1088 = arith.cmpi sgt, %jit3A, %sign3A_1087 : i32
          %sign3A_1089 = arith.extui %sign3A_1088 : i1 to i32
          %sign3A_1090 = arith.constant 0 : i32
          %sign3A_1091 = arith.cmpi slt, %jit3A, %sign3A_1090 : i32
          %sign3A_1092 = arith.extui %sign3A_1091 : i1 to i32
          %sign3A_1093 = arith.subi %sign3A_1089, %sign3A_1092 : i32
          %ne3A = arith.cmpi ne, %sign3A_1086, %sign3A_1093 : i32
          %rem3A = arith.remsi %scan3A_1062, %jit3A : i32
          %ne3A_1094 = arith.constant 0 : i32
          %ne3A_1095 = arith.cmpi ne, %rem3A, %ne3A_1094 : i32
          %and3A = arith.andi %ne3A, %ne3A_1095 : i1
          %sub3A = arith.constant 1 : i32
          %sub3A_1096 = arith.subi %div3A, %sub3A : i32
          %select_n3A = arith.select %and3A, %sub3A_1096, %div3A : i32
          %jit3A_1097 = arith.constant 8 : i32
          %eq3A_1098 = arith.constant 0 : i32
          %eq3A_1099 = arith.cmpi eq, %jit3A_1097, %eq3A_1098 : i32
          %jit3A_1100 = arith.constant 1 : i32
          %select_n3A_1101 = arith.select %eq3A_1099, %jit3A_1100, %jit3A_1097 : i32
          %rem3A_1102 = arith.remsi %scan3A_1062, %select_n3A_1101 : i32
          %ne3A_1103 = arith.constant 0 : i32
          %ne3A_1104 = arith.cmpi ne, %rem3A_1102, %ne3A_1103 : i32
          %lt3A_1105 = arith.constant 0 : i32
          %lt3A_1106 = arith.cmpi slt, %rem3A_1102, %lt3A_1105 : i32
          %lt3A_1107 = arith.constant 0 : i32
          %lt3A_1108 = arith.cmpi slt, %select_n3A_1101, %lt3A_1107 : i32
          %ne3A_1109 = arith.xori %lt3A_1106, %lt3A_1108 : i1
          %and3A_1110 = arith.andi %ne3A_1109, %ne3A_1104 : i1
          %add3A_1111 = arith.addi %rem3A_1102, %select_n3A_1101 : i32
          %select_n3A_1112 = arith.select %and3A_1110, %add3A_1111, %rem3A_1102 : i32
          %mul3A_1113 = arith.constant 16 : i32
          %mul3A_1114 = arith.muli %select_n3A_1112, %mul3A_1113 : i32
          %swap3A = arith.index_cast %select_n3A : i32 to index
          %swap3A_1115 = arith.index_cast %mul3A_1114 : i32 to index
          %swap3A_1116 = tpu.vector_load %arg10[%swap3A, %swap3A_1115] {strides = array<i32>} : memref<40x128xi32, #tpu.memory_space<vmem>>, vector<1x16xi32>,
          %swap3A_1117 = vector.shape_cast %swap3A_1116 : vector<1x16xi32> to vector<16xi32>
          %swap3A_1118 = vector.shape_cast %add3A_1080 : vector<16xi32> to vector<1x16xi32>
          tpu.vector_store %arg10[%swap3A, %swap3A_1115], %swap3A_1118 {strides = array<i32>} : memref<40x128xi32, #tpu.memory_space<vmem>>, vector<1x16xi32>,
        }
        %scan3A_23 = arith.constant 320 : i32
        %dma_start3A = arith.constant 0 : i32
        %dma_start3A_24 = arith.constant 0 : i32
        %dma_start3A_25 = tpu.memref_slice %arg10[%dma_start3A, %dma_start3A_24] : memref<40x128xi32, #tpu.memory_space<vmem>> -> memref<1x128xi32, #tpu.memory_space<vmem>>
        %dma_start3A_26 = tpu.memref_squeeze %dma_start3A_25 : memref<1x128xi32, #tpu.memory_space<vmem>> -> memref<128xi32, #tpu.memory_space<vmem>>
        %dma_start3A_27 = arith.constant 0 : i32
        %dma_start3A_28 = arith.constant 0 : i32
        %dma_start3A_29 = tpu.memref_slice %arg13[%dma_start3A_27, %dma_start3A_28] : memref<60x128xf32, #tpu.memory_space<vmem_shared>> -> memref<60x128xf32, #tpu.memory_space<vmem_shared>>
        tpu.enqueue_indirect_dma source(%dma_start3A_29 : memref<60x128xf32, #tpu.memory_space<vmem_shared>>) target(%arg11 : memref<128x128xf32, #tpu.memory_space<vmem>>) offsets(%dma_start3A_26 : memref<128xi32, #tpu.memory_space<vmem>>) semaphore(%arg14 : memref<!tpu.dma_semaphore, #tpu.memory_space<semaphore_mem>>)
        %dma_start3A_30 = arith.constant 1 : i32
        %dma_start3A_31 = arith.constant 0 : i32
        %dma_start3A_32 = tpu.memref_slice %arg10[%dma_start3A_30, %dma_start3A_31] : memref<40x128xi32, #tpu.memory_space<vmem>> -> memref<1x128xi32, #tpu.memory_space<vmem>>
        %dma_start3A_33 = tpu.memref_squeeze %dma_start3A_32 : memref<1x128xi32, #tpu.memory_space<vmem>> -> memref<128xi32, #tpu.memory_space<vmem>>
        %dma_start3A_34 = arith.constant 0 : i32
        %dma_start3A_35 = arith.constant 0 : i32
        %dma_start3A_36 = tpu.memref_slice %arg13[%dma_start3A_34, %dma_start3A_35] : memref<60x128xf32, #tpu.memory_space<vmem_shared>> -> memref<60x128xf32, #tpu.memory_space<vmem_shared>>
        tpu.enqueue_indirect_dma source(%dma_start3A_36 : memref<60x128xf32, #tpu.memory_space<vmem_shared>>) target(%arg12 : memref<128x128xf32, #tpu.memory_space<vmem>>) offsets(%dma_start3A_33 : memref<128xi32, #tpu.memory_space<vmem>>) semaphore(%arg15 : memref<!tpu.dma_semaphore, #tpu.memory_space<semaphore_mem>>)
        %dma_wait3A = arith.constant 0 : i32
        %dma_wait3A_37 = arith.constant 0 : i32
        %dma_wait3A_38 = tpu.memref_slice %arg10[%dma_wait3A, %dma_wait3A_37] : memref<40x128xi32, #tpu.memory_space<vmem>> -> memref<1x128xi32, #tpu.memory_space<vmem>>
        %dma_wait3A_39 = tpu.memref_squeeze %dma_wait3A_38 : memref<1x128xi32, #tpu.memory_space<vmem>> -> memref<128xi32, #tpu.memory_space<vmem>>
        %dma_wait3A_40 = arith.constant 0 : i32
        %dma_wait3A_41 = arith.constant 0 : i32
        %dma_wait3A_42 = tpu.memref_slice %arg13[%dma_wait3A_40, %dma_wait3A_41] : memref<60x128xf32, #tpu.memory_space<vmem_shared>> -> memref<60x128xf32, #tpu.memory_space<vmem_shared>>
        tpu.wait_indirect_dma semaphore(%arg14 : memref<!tpu.dma_semaphore, #tpu.memory_space<semaphore_mem>>) src(%dma_wait3A_42 : memref<60x128xf32, #tpu.memory_space<vmem_shared>>) dst(%arg11 : memref<128x128xf32, #tpu.memory_space<vmem>>)
        %mul3A_43 = arith.constant 5120 : i32
        %mul3A_44 = arith.muli %add3A_11, %mul3A_43 : i32
        %add3A_45 = arith.constant 0 : i32
        %add3A_46 = arith.addi %mul3A_44, %add3A_45 : i32
        %dma_start3A_47 = arith.constant 0 : i32
        %dma_start3A_48 = tpu.memref_slice %arg6[%add3A_46, %dma_start3A_47] : memref<640000x128xf32, #tpu.memory_space<hbm>> -> memref<128x128xf32, #tpu.memory_space<hbm>>
        %dma_start3A_49 = arith.constant 0 : i32
        %dma_start3A_50 = tpu.memref_slice %arg6[%add3A_46, %dma_start3A_49] : memref<640000x128xf32, #tpu.memory_space<hbm>> -> memref<128x128xf32, #tpu.memory_space<hbm>>
        tpu.enqueue_dma source(%arg11 : memref<128x128xf32, #tpu.memory_space<vmem>>) target(%dma_start3A_50 : memref<128x128xf32, #tpu.memory_space<hbm>>) target_semaphore(%arg16 : memref<!tpu.dma_semaphore, #tpu.memory_space<semaphore_mem>>)
        %dma_wait3A_51 = arith.constant 0 : i32
        %dma_wait3A_52 = tpu.memref_slice %arg6[%add3A_46, %dma_wait3A_51] : memref<640000x128xf32, #tpu.memory_space<hbm>> -> memref<128x128xf32, #tpu.memory_space<hbm>>
        %dma_wait3A_53 = arith.constant 0 : i32
        %dma_wait3A_54 = tpu.memref_slice %arg6[%add3A_46, %dma_wait3A_53] : memref<640000x128xf32, #tpu.memory_space<hbm>> -> memref<128x128xf32, #tpu.memory_space<hbm>>
        tpu.wait_dma2 semaphore(%arg16 : memref<!tpu.dma_semaphore, #tpu.memory_space<semaphore_mem>>) src(%arg11 : memref<128x128xf32, #tpu.memory_space<vmem>>) dst(%dma_wait3A_54 : memref<128x128xf32, #tpu.memory_space<hbm>>)
        %dma_start3A_55 = arith.constant 2 : i32
        %dma_start3A_56 = arith.constant 0 : i32
        %dma_start3A_57 = tpu.memref_slice %arg10[%dma_start3A_55, %dma_start3A_56] : memref<40x128xi32, #tpu.memory_space<vmem>> -> memref<1x128xi32, #tpu.memory_space<vmem>>
        %dma_start3A_58 = tpu.memref_squeeze %dma_start3A_57 : memref<1x128xi32, #tpu.memory_space<vmem>> -> memref<128xi32, #tpu.memory_space<vmem>>
        %dma_start3A_59 = arith.constant 0 : i32
        %dma_start3A_60 = arith.constant 0 : i32
        %dma_start3A_61 = tpu.memref_slice %arg13[%dma_start3A_59, %dma_start3A_60] : memref<60x128xf32, #tpu.memory_space<vmem_shared>> -> memref<60x128xf32, #tpu.memory_space<vmem_shared>>
        tpu.enqueue_indirect_dma source(%dma_start3A_61 : memref<60x128xf32, #tpu.memory_space<vmem_shared>>) target(%arg11 : memref<128x128xf32, #tpu.memory_space<vmem>>) offsets(%dma_start3A_58 : memref<128xi32, #tpu.memory_space<vmem>>) semaphore(%arg14 : memref<!tpu.dma_semaphore, #tpu.memory_space<semaphore_mem>>)
        %dma_wait3A_62 = arith.constant 1 : i32
        %dma_wait3A_63 = arith.constant 0 : i32
        %dma_wait3A_64 = tpu.memref_slice %arg10[%dma_wait3A_62, %dma_wait3A_63] : memref<40x128xi32, #tpu.memory_space<vmem>> -> memref<1x128xi32, #tpu.memory_space<vmem>>
        %dma_wait3A_65 = tpu.memref_squeeze %dma_wait3A_64 : memref<1x128xi32, #tpu.memory_space<vmem>> -> memref<128xi32, #tpu.memory_space<vmem>>
        %dma_wait3A_66 = arith.constant 0 : i32
        %dma_wait3A_67 = arith.constant 0 : i32
        %dma_wait3A_68 = tpu.memref_slice %arg13[%dma_wait3A_66, %dma_wait3A_67] : memref<60x128xf32, #tpu.memory_space<vmem_shared>> -> memref<60x128xf32, #tpu.memory_space<vmem_shared>>
        tpu.wait_indirect_dma semaphore(%arg15 : memref<!tpu.dma_semaphore, #tpu.memory_space<semaphore_mem>>) src(%dma_wait3A_68 : memref<60x128xf32, #tpu.memory_space<vmem_shared>>) dst(%arg12 : memref<128x128xf32, #tpu.memory_space<vmem>>)
        %mul3A_69 = arith.constant 5120 : i32
        %mul3A_70 = arith.muli %add3A_11, %mul3A_69 : i32
        %add3A_71 = arith.constant 128 : i32
        %add3A_72 = arith.addi %mul3A_70, %add3A_71 : i32
        %dma_start3A_73 = arith.constant 0 : i32
        %dma_start3A_74 = tpu.memref_slice %arg6[%add3A_72, %dma_start3A_73] : memref<640000x128xf32, #tpu.memory_space<hbm>> -> memref<128x128xf32, #tpu.memory_space<hbm>>
        %dma_start3A_75 = arith.constant 0 : i32
        %dma_start3A_76 = tpu.memref_slice %arg6[%add3A_72, %dma_start3A_75] : memref<640000x128xf32, #tpu.memory_space<hbm>> -> memref<128x128xf32, #tpu.memory_space<hbm>>
        tpu.enqueue_dma source(%arg12 : memref<128x128xf32, #tpu.memory_space<vmem>>) target(%dma_start3A_76 : memref<128x128xf32, #tpu.memory_space<hbm>>) target_semaphore(%arg17 : memref<!tpu.dma_semaphore, #tpu.memory_space<semaphore_mem>>)
        %dma_wait3A_77 = arith.constant 0 : i32
        %dma_wait3A_78 = tpu.memref_slice %arg6[%add3A_72, %dma_wait3A_77] : memref<640000x128xf32, #tpu.memory_space<hbm>> -> memref<128x128xf32, #tpu.memory_space<hbm>>
        %dma_wait3A_79 = arith.constant 0 : i32
        %dma_wait3A_80 = tpu.memref_slice %arg6[%add3A_72, %dma_wait3A_79] : memref<640000x128xf32, #tpu.memory_space<hbm>> -> memref<128x128xf32, #tpu.memory_space<hbm>>
        tpu.wait_dma2 semaphore(%arg17 : memref<!tpu.dma_semaphore, #tpu.memory_space<semaphore_mem>>) src(%arg12 : memref<128x128xf32, #tpu.memory_space<vmem>>) dst(%dma_wait3A_80 : memref<128x128xf32, #tpu.memory_space<hbm>>)
        %dma_start3A_81 = arith.constant 3 : i32
        %dma_start3A_82 = arith.constant 0 : i32
        %dma_start3A_83 = tpu.memref_slice %arg10[%dma_start3A_81, %dma_start3A_82] : memref<40x128xi32, #tpu.memory_space<vmem>> -> memref<1x128xi32, #tpu.memory_space<vmem>>
        %dma_start3A_84 = tpu.memref_squeeze %dma_start3A_83 : memref<1x128xi32, #tpu.memory_space<vmem>> -> memref<128xi32, #tpu.memory_space<vmem>>
        %dma_start3A_85 = arith.constant 0 : i32
        %dma_start3A_86 = arith.constant 0 : i32
        %dma_start3A_87 = tpu.memref_slice %arg13[%dma_start3A_85, %dma_start3A_86] : memref<60x128xf32, #tpu.memory_space<vmem_shared>> -> memref<60x128xf32, #tpu.memory_space<vmem_shared>>
        tpu.enqueue_indirect_dma source(%dma_start3A_87 : memref<60x128xf32, #tpu.memory_space<vmem_shared>>) target(%arg12 : memref<128x128xf32, #tpu.memory_space<vmem>>) offsets(%dma_start3A_84 : memref<128xi32, #tpu.memory_space<vmem>>) semaphore(%arg15 : memref<!tpu.dma_semaphore, #tpu.memory_space<semaphore_mem>>)
        %dma_wait3A_88 = arith.constant 2 : i32
        %dma_wait3A_89 = arith.constant 0 : i32
        %dma_wait3A_90 = tpu.memref_slice %arg10[%dma_wait3A_88, %dma_wait3A_89] : memref<40x128xi32, #tpu.memory_space<vmem>> -> memref<1x128xi32, #tpu.memory_space<vmem>>
        %dma_wait3A_91 = tpu.memref_squeeze %dma_wait3A_90 : memref<1x128xi32, #tpu.memory_space<vmem>> -> memref<128xi32, #tpu.memory_space<vmem>>
        %dma_wait3A_92 = arith.constant 0 : i32
        %dma_wait3A_93 = arith.constant 0 : i32
        %dma_wait3A_94 = tpu.memref_slice %arg13[%dma_wait3A_92, %dma_wait3A_93] : memref<60x128xf32, #tpu.memory_space<vmem_shared>> -> memref<60x128xf32, #tpu.memory_space<vmem_shared>>
        tpu.wait_indirect_dma semaphore(%arg14 : memref<!tpu.dma_semaphore, #tpu.memory_space<semaphore_mem>>) src(%dma_wait3A_94 : memref<60x128xf32, #tpu.memory_space<vmem_shared>>) dst(%arg11 : memref<128x128xf32, #tpu.memory_space<vmem>>)
        %mul3A_95 = arith.constant 5120 : i32
        %mul3A_96 = arith.muli %add3A_11, %mul3A_95 : i32
        %add3A_97 = arith.constant 256 : i32
        %add3A_98 = arith.addi %mul3A_96, %add3A_97 : i32
        %dma_start3A_99 = arith.constant 0 : i32
        %dma_start3A_100 = tpu.memref_slice %arg6[%add3A_98, %dma_start3A_99] : memref<640000x128xf32, #tpu.memory_space<hbm>> -> memref<128x128xf32, #tpu.memory_space<hbm>>
        %dma_start3A_101 = arith.constant 0 : i32
        %dma_start3A_102 = tpu.memref_slice %arg6[%add3A_98, %dma_start3A_101] : memref<640000x128xf32, #tpu.memory_space<hbm>> -> memref<128x128xf32, #tpu.memory_space<hbm>>
        tpu.enqueue_dma source(%arg11 : memref<128x128xf32, #tpu.memory_space<vmem>>) target(%dma_start3A_102 : memref<128x128xf32, #tpu.memory_space<hbm>>) target_semaphore(%arg16 : memref<!tpu.dma_semaphore, #tpu.memory_space<semaphore_mem>>)
        %dma_wait3A_103 = arith.constant 0 : i32
        %dma_wait3A_104 = tpu.memref_slice %arg6[%add3A_98, %dma_wait3A_103] : memref<640000x128xf32, #tpu.memory_space<hbm>> -> memref<128x128xf32, #tpu.memory_space<hbm>>
        %dma_wait3A_105 = arith.constant 0 : i32
        %dma_wait3A_106 = tpu.memref_slice %arg6[%add3A_98, %dma_wait3A_105] : memref<640000x128xf32, #tpu.memory_space<hbm>> -> memref<128x128xf32, #tpu.memory_space<hbm>>
        tpu.wait_dma2 semaphore(%arg16 : memref<!tpu.dma_semaphore, #tpu.memory_space<semaphore_mem>>) src(%arg11 : memref<128x128xf32, #tpu.memory_space<vmem>>) dst(%dma_wait3A_106 : memref<128x128xf32, #tpu.memory_space<hbm>>)
        %dma_start3A_107 = arith.constant 4 : i32
        %dma_start3A_108 = arith.constant 0 : i32
        %dma_start3A_109 = tpu.memref_slice %arg10[%dma_start3A_107, %dma_start3A_108] : memref<40x128xi32, #tpu.memory_space<vmem>> -> memref<1x128xi32, #tpu.memory_space<vmem>>
        %dma_start3A_110 = tpu.memref_squeeze %dma_start3A_109 : memref<1x128xi32, #tpu.memory_space<vmem>> -> memref<128xi32, #tpu.memory_space<vmem>>
        %dma_start3A_111 = arith.constant 0 : i32
        %dma_start3A_112 = arith.constant 0 : i32
        %dma_start3A_113 = tpu.memref_slice %arg13[%dma_start3A_111, %dma_start3A_112] : memref<60x128xf32, #tpu.memory_space<vmem_shared>> -> memref<60x128xf32, #tpu.memory_space<vmem_shared>>
        tpu.enqueue_indirect_dma source(%dma_start3A_113 : memref<60x128xf32, #tpu.memory_space<vmem_shared>>) target(%arg11 : memref<128x128xf32, #tpu.memory_space<vmem>>) offsets(%dma_start3A_110 : memref<128xi32, #tpu.memory_space<vmem>>) semaphore(%arg14 : memref<!tpu.dma_semaphore, #tpu.memory_space<semaphore_mem>>)
        %dma_wait3A_114 = arith.constant 3 : i32
        %dma_wait3A_115 = arith.constant 0 : i32
        %dma_wait3A_116 = tpu.memref_slice %arg10[%dma_wait3A_114, %dma_wait3A_115] : memref<40x128xi32, #tpu.memory_space<vmem>> -> memref<1x128xi32, #tpu.memory_space<vmem>>
        %dma_wait3A_117 = tpu.memref_squeeze %dma_wait3A_116 : memref<1x128xi32, #tpu.memory_space<vmem>> -> memref<128xi32, #tpu.memory_space<vmem>>
        %dma_wait3A_118 = arith.constant 0 : i32
        %dma_wait3A_119 = arith.constant 0 : i32
        %dma_wait3A_120 = tpu.memref_slice %arg13[%dma_wait3A_118, %dma_wait3A_119] : memref<60x128xf32, #tpu.memory_space<vmem_shared>> -> memref<60x128xf32, #tpu.memory_space<vmem_shared>>
        tpu.wait_indirect_dma semaphore(%arg15 : memref<!tpu.dma_semaphore, #tpu.memory_space<semaphore_mem>>) src(%dma_wait3A_120 : memref<60x128xf32, #tpu.memory_space<vmem_shared>>) dst(%arg12 : memref<128x128xf32, #tpu.memory_space<vmem>>)
        %mul3A_121 = arith.constant 5120 : i32
        %mul3A_122 = arith.muli %add3A_11, %mul3A_121 : i32
        %add3A_123 = arith.constant 384 : i32
        %add3A_124 = arith.addi %mul3A_122, %add3A_123 : i32
        %dma_start3A_125 = arith.constant 0 : i32
        %dma_start3A_126 = tpu.memref_slice %arg6[%add3A_124, %dma_start3A_125] : memref<640000x128xf32, #tpu.memory_space<hbm>> -> memref<128x128xf32, #tpu.memory_space<hbm>>
        %dma_start3A_127 = arith.constant 0 : i32
        %dma_start3A_128 = tpu.memref_slice %arg6[%add3A_124, %dma_start3A_127] : memref<640000x128xf32, #tpu.memory_space<hbm>> -> memref<128x128xf32, #tpu.memory_space<hbm>>
        tpu.enqueue_dma source(%arg12 : memref<128x128xf32, #tpu.memory_space<vmem>>) target(%dma_start3A_128 : memref<128x128xf32, #tpu.memory_space<hbm>>) target_semaphore(%arg17 : memref<!tpu.dma_semaphore, #tpu.memory_space<semaphore_mem>>)
        %dma_wait3A_129 = arith.constant 0 : i32
        %dma_wait3A_130 = tpu.memref_slice %arg6[%add3A_124, %dma_wait3A_129] : memref<640000x128xf32, #tpu.memory_space<hbm>> -> memref<128x128xf32, #tpu.memory_space<hbm>>
        %dma_wait3A_131 = arith.constant 0 : i32
        %dma_wait3A_132 = tpu.memref_slice %arg6[%add3A_124, %dma_wait3A_131] : memref<640000x128xf32, #tpu.memory_space<hbm>> -> memref<128x128xf32, #tpu.memory_space<hbm>>
        tpu.wait_dma2 semaphore(%arg17 : memref<!tpu.dma_semaphore, #tpu.memory_space<semaphore_mem>>) src(%arg12 : memref<128x128xf32, #tpu.memory_space<vmem>>) dst(%dma_wait3A_132 : memref<128x128xf32, #tpu.memory_space<hbm>>)
        %dma_start3A_133 = arith.constant 5 : i32
        %dma_start3A_134 = arith.constant 0 : i32
        %dma_start3A_135 = tpu.memref_slice %arg10[%dma_start3A_133, %dma_start3A_134] : memref<40x128xi32, #tpu.memory_space<vmem>> -> memref<1x128xi32, #tpu.memory_space<vmem>>
        %dma_start3A_136 = tpu.memref_squeeze %dma_start3A_135 : memref<1x128xi32, #tpu.memory_space<vmem>> -> memref<128xi32, #tpu.memory_space<vmem>>
        %dma_start3A_137 = arith.constant 0 : i32
        %dma_start3A_138 = arith.constant 0 : i32
        %dma_start3A_139 = tpu.memref_slice %arg13[%dma_start3A_137, %dma_start3A_138] : memref<60x128xf32, #tpu.memory_space<vmem_shared>> -> memref<60x128xf32, #tpu.memory_space<vmem_shared>>
        tpu.enqueue_indirect_dma source(%dma_start3A_139 : memref<60x128xf32, #tpu.memory_space<vmem_shared>>) target(%arg12 : memref<128x128xf32, #tpu.memory_space<vmem>>) offsets(%dma_start3A_136 : memref<128xi32, #tpu.memory_space<vmem>>) semaphore(%arg15 : memref<!tpu.dma_semaphore, #tpu.memory_space<semaphore_mem>>)
        %dma_wait3A_140 = arith.constant 4 : i32
        %dma_wait3A_141 = arith.constant 0 : i32
        %dma_wait3A_142 = tpu.memref_slice %arg10[%dma_wait3A_140, %dma_wait3A_141] : memref<40x128xi32, #tpu.memory_space<vmem>> -> memref<1x128xi32, #tpu.memory_space<vmem>>
        %dma_wait3A_143 = tpu.memref_squeeze %dma_wait3A_142 : memref<1x128xi32, #tpu.memory_space<vmem>> -> memref<128xi32, #tpu.memory_space<vmem>>
        %dma_wait3A_144 = arith.constant 0 : i32
        %dma_wait3A_145 = arith.constant 0 : i32
        %dma_wait3A_146 = tpu.memref_slice %arg13[%dma_wait3A_144, %dma_wait3A_145] : memref<60x128xf32, #tpu.memory_space<vmem_shared>> -> memref<60x128xf32, #tpu.memory_space<vmem_shared>>
        tpu.wait_indirect_dma semaphore(%arg14 : memref<!tpu.dma_semaphore, #tpu.memory_space<semaphore_mem>>) src(%dma_wait3A_146 : memref<60x128xf32, #tpu.memory_space<vmem_shared>>) dst(%arg11 : memref<128x128xf32, #tpu.memory_space<vmem>>)
        %mul3A_147 = arith.constant 5120 : i32
        %mul3A_148 = arith.muli %add3A_11, %mul3A_147 : i32
        %add3A_149 = arith.constant 512 : i32
        %add3A_150 = arith.addi %mul3A_148, %add3A_149 : i32
        %dma_start3A_151 = arith.constant 0 : i32
        %dma_start3A_152 = tpu.memref_slice %arg6[%add3A_150, %dma_start3A_151] : memref<640000x128xf32, #tpu.memory_space<hbm>> -> memref<128x128xf32, #tpu.memory_space<hbm>>
        %dma_start3A_153 = arith.constant 0 : i32
        %dma_start3A_154 = tpu.memref_slice %arg6[%add3A_150, %dma_start3A_153] : memref<640000x128xf32, #tpu.memory_space<hbm>> -> memref<128x128xf32, #tpu.memory_space<hbm>>
        tpu.enqueue_dma source(%arg11 : memref<128x128xf32, #tpu.memory_space<vmem>>) target(%dma_start3A_154 : memref<128x128xf32, #tpu.memory_space<hbm>>) target_semaphore(%arg16 : memref<!tpu.dma_semaphore, #tpu.memory_space<semaphore_mem>>)
        %dma_wait3A_155 = arith.constant 0 : i32
        %dma_wait3A_156 = tpu.memref_slice %arg6[%add3A_150, %dma_wait3A_155] : memref<640000x128xf32, #tpu.memory_space<hbm>> -> memref<128x128xf32, #tpu.memory_space<hbm>>
        %dma_wait3A_157 = arith.constant 0 : i32
        %dma_wait3A_158 = tpu.memref_slice %arg6[%add3A_150, %dma_wait3A_157] : memref<640000x128xf32, #tpu.memory_space<hbm>> -> memref<128x128xf32, #tpu.memory_space<hbm>>
        tpu.wait_dma2 semaphore(%arg16 : memref<!tpu.dma_semaphore, #tpu.memory_space<semaphore_mem>>) src(%arg11 : memref<128x128xf32, #tpu.memory_space<vmem>>) dst(%dma_wait3A_158 : memref<128x128xf32, #tpu.memory_space<hbm>>)
        %dma_start3A_159 = arith.constant 6 : i32
        %dma_start3A_160 = arith.constant 0 : i32
        %dma_start3A_161 = tpu.memref_slice %arg10[%dma_start3A_159, %dma_start3A_160] : memref<40x128xi32, #tpu.memory_space<vmem>> -> memref<1x128xi32, #tpu.memory_space<vmem>>
        %dma_start3A_162 = tpu.memref_squeeze %dma_start3A_161 : memref<1x128xi32, #tpu.memory_space<vmem>> -> memref<128xi32, #tpu.memory_space<vmem>>
        %dma_start3A_163 = arith.constant 0 : i32
        %dma_start3A_164 = arith.constant 0 : i32
        %dma_start3A_165 = tpu.memref_slice %arg13[%dma_start3A_163, %dma_start3A_164] : memref<60x128xf32, #tpu.memory_space<vmem_shared>> -> memref<60x128xf32, #tpu.memory_space<vmem_shared>>
        tpu.enqueue_indirect_dma source(%dma_start3A_165 : memref<60x128xf32, #tpu.memory_space<vmem_shared>>) target(%arg11 : memref<128x128xf32, #tpu.memory_space<vmem>>) offsets(%dma_start3A_162 : memref<128xi32, #tpu.memory_space<vmem>>) semaphore(%arg14 : memref<!tpu.dma_semaphore, #tpu.memory_space<semaphore_mem>>)
        %dma_wait3A_166 = arith.constant 5 : i32
        %dma_wait3A_167 = arith.constant 0 : i32
        %dma_wait3A_168 = tpu.memref_slice %arg10[%dma_wait3A_166, %dma_wait3A_167] : memref<40x128xi32, #tpu.memory_space<vmem>> -> memref<1x128xi32, #tpu.memory_space<vmem>>
        %dma_wait3A_169 = tpu.memref_squeeze %dma_wait3A_168 : memref<1x128xi32, #tpu.memory_space<vmem>> -> memref<128xi32, #tpu.memory_space<vmem>>
        %dma_wait3A_170 = arith.constant 0 : i32
        %dma_wait3A_171 = arith.constant 0 : i32
        %dma_wait3A_172 = tpu.memref_slice %arg13[%dma_wait3A_170, %dma_wait3A_171] : memref<60x128xf32, #tpu.memory_space<vmem_shared>> -> memref<60x128xf32, #tpu.memory_space<vmem_shared>>
        tpu.wait_indirect_dma semaphore(%arg15 : memref<!tpu.dma_semaphore, #tpu.memory_space<semaphore_mem>>) src(%dma_wait3A_172 : memref<60x128xf32, #tpu.memory_space<vmem_shared>>) dst(%arg12 : memref<128x128xf32, #tpu.memory_space<vmem>>)
        %mul3A_173 = arith.constant 5120 : i32
        %mul3A_174 = arith.muli %add3A_11, %mul3A_173 : i32
        %add3A_175 = arith.constant 640 : i32
        %add3A_176 = arith.addi %mul3A_174, %add3A_175 : i32
        %dma_start3A_177 = arith.constant 0 : i32
        %dma_start3A_178 = tpu.memref_slice %arg6[%add3A_176, %dma_start3A_177] : memref<640000x128xf32, #tpu.memory_space<hbm>> -> memref<128x128xf32, #tpu.memory_space<hbm>>
        %dma_start3A_179 = arith.constant 0 : i32
        %dma_start3A_180 = tpu.memref_slice %arg6[%add3A_176, %dma_start3A_179] : memref<640000x128xf32, #tpu.memory_space<hbm>> -> memref<128x128xf32, #tpu.memory_space<hbm>>
        tpu.enqueue_dma source(%arg12 : memref<128x128xf32, #tpu.memory_space<vmem>>) target(%dma_start3A_180 : memref<128x128xf32, #tpu.memory_space<hbm>>) target_semaphore(%arg17 : memref<!tpu.dma_semaphore, #tpu.memory_space<semaphore_mem>>)
        %dma_wait3A_181 = arith.constant 0 : i32
        %dma_wait3A_182 = tpu.memref_slice %arg6[%add3A_176, %dma_wait3A_181] : memref<640000x128xf32, #tpu.memory_space<hbm>> -> memref<128x128xf32, #tpu.memory_space<hbm>>
        %dma_wait3A_183 = arith.constant 0 : i32
        %dma_wait3A_184 = tpu.memref_slice %arg6[%add3A_176, %dma_wait3A_183] : memref<640000x128xf32, #tpu.memory_space<hbm>> -> memref<128x128xf32, #tpu.memory_space<hbm>>
        tpu.wait_dma2 semaphore(%arg17 : memref<!tpu.dma_semaphore, #tpu.memory_space<semaphore_mem>>) src(%arg12 : memref<128x128xf32, #tpu.memory_space<vmem>>) dst(%dma_wait3A_184 : memref<128x128xf32, #tpu.memory_space<hbm>>)
        %dma_start3A_185 = arith.constant 7 : i32
        %dma_start3A_186 = arith.constant 0 : i32
        %dma_start3A_187 = tpu.memref_slice %arg10[%dma_start3A_185, %dma_start3A_186] : memref<40x128xi32, #tpu.memory_space<vmem>> -> memref<1x128xi32, #tpu.memory_space<vmem>>
        %dma_start3A_188 = tpu.memref_squeeze %dma_start3A_187 : memref<1x128xi32, #tpu.memory_space<vmem>> -> memref<128xi32, #tpu.memory_space<vmem>>
        %dma_start3A_189 = arith.constant 0 : i32
        %dma_start3A_190 = arith.constant 0 : i32
        %dma_start3A_191 = tpu.memref_slice %arg13[%dma_start3A_189, %dma_start3A_190] : memref<60x128xf32, #tpu.memory_space<vmem_shared>> -> memref<60x128xf32, #tpu.memory_space<vmem_shared>>
        tpu.enqueue_indirect_dma source(%dma_start3A_191 : memref<60x128xf32, #tpu.memory_space<vmem_shared>>) target(%arg12 : memref<128x128xf32, #tpu.memory_space<vmem>>) offsets(%dma_start3A_188 : memref<128xi32, #tpu.memory_space<vmem>>) semaphore(%arg15 : memref<!tpu.dma_semaphore, #tpu.memory_space<semaphore_mem>>)
        %dma_wait3A_192 = arith.constant 6 : i32
        %dma_wait3A_193 = arith.constant 0 : i32
        %dma_wait3A_194 = tpu.memref_slice %arg10[%dma_wait3A_192, %dma_wait3A_193] : memref<40x128xi32, #tpu.memory_space<vmem>> -> memref<1x128xi32, #tpu.memory_space<vmem>>
        %dma_wait3A_195 = tpu.memref_squeeze %dma_wait3A_194 : memref<1x128xi32, #tpu.memory_space<vmem>> -> memref<128xi32, #tpu.memory_space<vmem>>
        %dma_wait3A_196 = arith.constant 0 : i32
        %dma_wait3A_197 = arith.constant 0 : i32
        %dma_wait3A_198 = tpu.memref_slice %arg13[%dma_wait3A_196, %dma_wait3A_197] : memref<60x128xf32, #tpu.memory_space<vmem_shared>> -> memref<60x128xf32, #tpu.memory_space<vmem_shared>>
        tpu.wait_indirect_dma semaphore(%arg14 : memref<!tpu.dma_semaphore, #tpu.memory_space<semaphore_mem>>) src(%dma_wait3A_198 : memref<60x128xf32, #tpu.memory_space<vmem_shared>>) dst(%arg11 : memref<128x128xf32, #tpu.memory_space<vmem>>)
        %mul3A_199 = arith.constant 5120 : i32
        %mul3A_200 = arith.muli %add3A_11, %mul3A_199 : i32
        %add3A_201 = arith.constant 768 : i32
        %add3A_202 = arith.addi %mul3A_200, %add3A_201 : i32
        %dma_start3A_203 = arith.constant 0 : i32
        %dma_start3A_204 = tpu.memref_slice %arg6[%add3A_202, %dma_start3A_203] : memref<640000x128xf32, #tpu.memory_space<hbm>> -> memref<128x128xf32, #tpu.memory_space<hbm>>
        %dma_start3A_205 = arith.constant 0 : i32
        %dma_start3A_206 = tpu.memref_slice %arg6[%add3A_202, %dma_start3A_205] : memref<640000x128xf32, #tpu.memory_space<hbm>> -> memref<128x128xf32, #tpu.memory_space<hbm>>
        tpu.enqueue_dma source(%arg11 : memref<128x128xf32, #tpu.memory_space<vmem>>) target(%dma_start3A_206 : memref<128x128xf32, #tpu.memory_space<hbm>>) target_semaphore(%arg16 : memref<!tpu.dma_semaphore, #tpu.memory_space<semaphore_mem>>)
        %dma_wait3A_207 = arith.constant 0 : i32
        %dma_wait3A_208 = tpu.memref_slice %arg6[%add3A_202, %dma_wait3A_207] : memref<640000x128xf32, #tpu.memory_space<hbm>> -> memref<128x128xf32, #tpu.memory_space<hbm>>
        %dma_wait3A_209 = arith.constant 0 : i32
        %dma_wait3A_210 = tpu.memref_slice %arg6[%add3A_202, %dma_wait3A_209] : memref<640000x128xf32, #tpu.memory_space<hbm>> -> memref<128x128xf32, #tpu.memory_space<hbm>>
        tpu.wait_dma2 semaphore(%arg16 : memref<!tpu.dma_semaphore, #tpu.memory_space<semaphore_mem>>) src(%arg11 : memref<128x128xf32, #tpu.memory_space<vmem>>) dst(%dma_wait3A_210 : memref<128x128xf32, #tpu.memory_space<hbm>>)
        %dma_start3A_211 = arith.constant 8 : i32
        %dma_start3A_212 = arith.constant 0 : i32
        %dma_start3A_213 = tpu.memref_slice %arg10[%dma_start3A_211, %dma_start3A_212] : memref<40x128xi32, #tpu.memory_space<vmem>> -> memref<1x128xi32, #tpu.memory_space<vmem>>
        %dma_start3A_214 = tpu.memref_squeeze %dma_start3A_213 : memref<1x128xi32, #tpu.memory_space<vmem>> -> memref<128xi32, #tpu.memory_space<vmem>>
        %dma_start3A_215 = arith.constant 0 : i32
        %dma_start3A_216 = arith.constant 0 : i32
        %dma_start3A_217 = tpu.memref_slice %arg13[%dma_start3A_215, %dma_start3A_216] : memref<60x128xf32, #tpu.memory_space<vmem_shared>> -> memref<60x128xf32, #tpu.memory_space<vmem_shared>>
        tpu.enqueue_indirect_dma source(%dma_start3A_217 : memref<60x128xf32, #tpu.memory_space<vmem_shared>>) target(%arg11 : memref<128x128xf32, #tpu.memory_space<vmem>>) offsets(%dma_start3A_214 : memref<128xi32, #tpu.memory_space<vmem>>) semaphore(%arg14 : memref<!tpu.dma_semaphore, #tpu.memory_space<semaphore_mem>>)
        %dma_wait3A_218 = arith.constant 7 : i32
        %dma_wait3A_219 = arith.constant 0 : i32
        %dma_wait3A_220 = tpu.memref_slice %arg10[%dma_wait3A_218, %dma_wait3A_219] : memref<40x128xi32, #tpu.memory_space<vmem>> -> memref<1x128xi32, #tpu.memory_space<vmem>>
        %dma_wait3A_221 = tpu.memref_squeeze %dma_wait3A_220 : memref<1x128xi32, #tpu.memory_space<vmem>> -> memref<128xi32, #tpu.memory_space<vmem>>
        %dma_wait3A_222 = arith.constant 0 : i32
        %dma_wait3A_223 = arith.constant 0 : i32
        %dma_wait3A_224 = tpu.memref_slice %arg13[%dma_wait3A_222, %dma_wait3A_223] : memref<60x128xf32, #tpu.memory_space<vmem_shared>> -> memref<60x128xf32, #tpu.memory_space<vmem_shared>>
        tpu.wait_indirect_dma semaphore(%arg15 : memref<!tpu.dma_semaphore, #tpu.memory_space<semaphore_mem>>) src(%dma_wait3A_224 : memref<60x128xf32, #tpu.memory_space<vmem_shared>>) dst(%arg12 : memref<128x128xf32, #tpu.memory_space<vmem>>)
        %mul3A_225 = arith.constant 5120 : i32
        %mul3A_226 = arith.muli %add3A_11, %mul3A_225 : i32
        %add3A_227 = arith.constant 896 : i32
        %add3A_228 = arith.addi %mul3A_226, %add3A_227 : i32
        %dma_start3A_229 = arith.constant 0 : i32
        %dma_start3A_230 = tpu.memref_slice %arg6[%add3A_228, %dma_start3A_229] : memref<640000x128xf32, #tpu.memory_space<hbm>> -> memref<128x128xf32, #tpu.memory_space<hbm>>
        %dma_start3A_231 = arith.constant 0 : i32
        %dma_start3A_232 = tpu.memref_slice %arg6[%add3A_228, %dma_start3A_231] : memref<640000x128xf32, #tpu.memory_space<hbm>> -> memref<128x128xf32, #tpu.memory_space<hbm>>
        tpu.enqueue_dma source(%arg12 : memref<128x128xf32, #tpu.memory_space<vmem>>) target(%dma_start3A_232 : memref<128x128xf32, #tpu.memory_space<hbm>>) target_semaphore(%arg17 : memref<!tpu.dma_semaphore, #tpu.memory_space<semaphore_mem>>)
        %dma_wait3A_233 = arith.constant 0 : i32
        %dma_wait3A_234 = tpu.memref_slice %arg6[%add3A_228, %dma_wait3A_233] : memref<640000x128xf32, #tpu.memory_space<hbm>> -> memref<128x128xf32, #tpu.memory_space<hbm>>
        %dma_wait3A_235 = arith.constant 0 : i32
        %dma_wait3A_236 = tpu.memref_slice %arg6[%add3A_228, %dma_wait3A_235] : memref<640000x128xf32, #tpu.memory_space<hbm>> -> memref<128x128xf32, #tpu.memory_space<hbm>>
        tpu.wait_dma2 semaphore(%arg17 : memref<!tpu.dma_semaphore, #tpu.memory_space<semaphore_mem>>) src(%arg12 : memref<128x128xf32, #tpu.memory_space<vmem>>) dst(%dma_wait3A_236 : memref<128x128xf32, #tpu.memory_space<hbm>>)
        %dma_start3A_237 = arith.constant 9 : i32
        %dma_start3A_238 = arith.constant 0 : i32
        %dma_start3A_239 = tpu.memref_slice %arg10[%dma_start3A_237, %dma_start3A_238] : memref<40x128xi32, #tpu.memory_space<vmem>> -> memref<1x128xi32, #tpu.memory_space<vmem>>
        %dma_start3A_240 = tpu.memref_squeeze %dma_start3A_239 : memref<1x128xi32, #tpu.memory_space<vmem>> -> memref<128xi32, #tpu.memory_space<vmem>>
        %dma_start3A_241 = arith.constant 0 : i32
        %dma_start3A_242 = arith.constant 0 : i32
        %dma_start3A_243 = tpu.memref_slice %arg13[%dma_start3A_241, %dma_start3A_242] : memref<60x128xf32, #tpu.memory_space<vmem_shared>> -> memref<60x128xf32, #tpu.memory_space<vmem_shared>>
        tpu.enqueue_indirect_dma source(%dma_start3A_243 : memref<60x128xf32, #tpu.memory_space<vmem_shared>>) target(%arg12 : memref<128x128xf32, #tpu.memory_space<vmem>>) offsets(%dma_start3A_240 : memref<128xi32, #tpu.memory_space<vmem>>) semaphore(%arg15 : memref<!tpu.dma_semaphore, #tpu.memory_space<semaphore_mem>>)
        %dma_wait3A_244 = arith.constant 8 : i32
        %dma_wait3A_245 = arith.constant 0 : i32
        %dma_wait3A_246 = tpu.memref_slice %arg10[%dma_wait3A_244, %dma_wait3A_245] : memref<40x128xi32, #tpu.memory_space<vmem>> -> memref<1x128xi32, #tpu.memory_space<vmem>>
        %dma_wait3A_247 = tpu.memref_squeeze %dma_wait3A_246 : memref<1x128xi32, #tpu.memory_space<vmem>> -> memref<128xi32, #tpu.memory_space<vmem>>
        %dma_wait3A_248 = arith.constant 0 : i32
        %dma_wait3A_249 = arith.constant 0 : i32
        %dma_wait3A_250 = tpu.memref_slice %arg13[%dma_wait3A_248, %dma_wait3A_249] : memref<60x128xf32, #tpu.memory_space<vmem_shared>> -> memref<60x128xf32, #tpu.memory_space<vmem_shared>>
        tpu.wait_indirect_dma semaphore(%arg14 : memref<!tpu.dma_semaphore, #tpu.memory_space<semaphore_mem>>) src(%dma_wait3A_250 : memref<60x128xf32, #tpu.memory_space<vmem_shared>>) dst(%arg11 : memref<128x128xf32, #tpu.memory_space<vmem>>)
        %mul3A_251 = arith.constant 5120 : i32
        %mul3A_252 = arith.muli %add3A_11, %mul3A_251 : i32
        %add3A_253 = arith.constant 1024 : i32
        %add3A_254 = arith.addi %mul3A_252, %add3A_253 : i32
        %dma_start3A_255 = arith.constant 0 : i32
        %dma_start3A_256 = tpu.memref_slice %arg6[%add3A_254, %dma_start3A_255] : memref<640000x128xf32, #tpu.memory_space<hbm>> -> memref<128x128xf32, #tpu.memory_space<hbm>>
        %dma_start3A_257 = arith.constant 0 : i32
        %dma_start3A_258 = tpu.memref_slice %arg6[%add3A_254, %dma_start3A_257] : memref<640000x128xf32, #tpu.memory_space<hbm>> -> memref<128x128xf32, #tpu.memory_space<hbm>>
        tpu.enqueue_dma source(%arg11 : memref<128x128xf32, #tpu.memory_space<vmem>>) target(%dma_start3A_258 : memref<128x128xf32, #tpu.memory_space<hbm>>) target_semaphore(%arg16 : memref<!tpu.dma_semaphore, #tpu.memory_space<semaphore_mem>>)
        %dma_wait3A_259 = arith.constant 0 : i32
        %dma_wait3A_260 = tpu.memref_slice %arg6[%add3A_254, %dma_wait3A_259] : memref<640000x128xf32, #tpu.memory_space<hbm>> -> memref<128x128xf32, #tpu.memory_space<hbm>>
        %dma_wait3A_261 = arith.constant 0 : i32
        %dma_wait3A_262 = tpu.memref_slice %arg6[%add3A_254, %dma_wait3A_261] : memref<640000x128xf32, #tpu.memory_space<hbm>> -> memref<128x128xf32, #tpu.memory_space<hbm>>
        tpu.wait_dma2 semaphore(%arg16 : memref<!tpu.dma_semaphore, #tpu.memory_space<semaphore_mem>>) src(%arg11 : memref<128x128xf32, #tpu.memory_space<vmem>>) dst(%dma_wait3A_262 : memref<128x128xf32, #tpu.memory_space<hbm>>)
        %dma_start3A_263 = arith.constant 10 : i32
        %dma_start3A_264 = arith.constant 0 : i32
        %dma_start3A_265 = tpu.memref_slice %arg10[%dma_start3A_263, %dma_start3A_264] : memref<40x128xi32, #tpu.memory_space<vmem>> -> memref<1x128xi32, #tpu.memory_space<vmem>>
        %dma_start3A_266 = tpu.memref_squeeze %dma_start3A_265 : memref<1x128xi32, #tpu.memory_space<vmem>> -> memref<128xi32, #tpu.memory_space<vmem>>
        %dma_start3A_267 = arith.constant 0 : i32
        %dma_start3A_268 = arith.constant 0 : i32
        %dma_start3A_269 = tpu.memref_slice %arg13[%dma_start3A_267, %dma_start3A_268] : memref<60x128xf32, #tpu.memory_space<vmem_shared>> -> memref<60x128xf32, #tpu.memory_space<vmem_shared>>
        tpu.enqueue_indirect_dma source(%dma_start3A_269 : memref<60x128xf32, #tpu.memory_space<vmem_shared>>) target(%arg11 : memref<128x128xf32, #tpu.memory_space<vmem>>) offsets(%dma_start3A_266 : memref<128xi32, #tpu.memory_space<vmem>>) semaphore(%arg14 : memref<!tpu.dma_semaphore, #tpu.memory_space<semaphore_mem>>)
        %dma_wait3A_270 = arith.constant 9 : i32
        %dma_wait3A_271 = arith.constant 0 : i32
        %dma_wait3A_272 = tpu.memref_slice %arg10[%dma_wait3A_270, %dma_wait3A_271] : memref<40x128xi32, #tpu.memory_space<vmem>> -> memref<1x128xi32, #tpu.memory_space<vmem>>
        %dma_wait3A_273 = tpu.memref_squeeze %dma_wait3A_272 : memref<1x128xi32, #tpu.memory_space<vmem>> -> memref<128xi32, #tpu.memory_space<vmem>>
        %dma_wait3A_274 = arith.constant 0 : i32
        %dma_wait3A_275 = arith.constant 0 : i32
        %dma_wait3A_276 = tpu.memref_slice %arg13[%dma_wait3A_274, %dma_wait3A_275] : memref<60x128xf32, #tpu.memory_space<vmem_shared>> -> memref<60x128xf32, #tpu.memory_space<vmem_shared>>
        tpu.wait_indirect_dma semaphore(%arg15 : memref<!tpu.dma_semaphore, #tpu.memory_space<semaphore_mem>>) src(%dma_wait3A_276 : memref<60x128xf32, #tpu.memory_space<vmem_shared>>) dst(%arg12 : memref<128x128xf32, #tpu.memory_space<vmem>>)
        %mul3A_277 = arith.constant 5120 : i32
        %mul3A_278 = arith.muli %add3A_11, %mul3A_277 : i32
        %add3A_279 = arith.constant 1152 : i32
        %add3A_280 = arith.addi %mul3A_278, %add3A_279 : i32
        %dma_start3A_281 = arith.constant 0 : i32
        %dma_start3A_282 = tpu.memref_slice %arg6[%add3A_280, %dma_start3A_281] : memref<640000x128xf32, #tpu.memory_space<hbm>> -> memref<128x128xf32, #tpu.memory_space<hbm>>
        %dma_start3A_283 = arith.constant 0 : i32
        %dma_start3A_284 = tpu.memref_slice %arg6[%add3A_280, %dma_start3A_283] : memref<640000x128xf32, #tpu.memory_space<hbm>> -> memref<128x128xf32, #tpu.memory_space<hbm>>
        tpu.enqueue_dma source(%arg12 : memref<128x128xf32, #tpu.memory_space<vmem>>) target(%dma_start3A_284 : memref<128x128xf32, #tpu.memory_space<hbm>>) target_semaphore(%arg17 : memref<!tpu.dma_semaphore, #tpu.memory_space<semaphore_mem>>)
        %dma_wait3A_285 = arith.constant 0 : i32
        %dma_wait3A_286 = tpu.memref_slice %arg6[%add3A_280, %dma_wait3A_285] : memref<640000x128xf32, #tpu.memory_space<hbm>> -> memref<128x128xf32, #tpu.memory_space<hbm>>
        %dma_wait3A_287 = arith.constant 0 : i32
        %dma_wait3A_288 = tpu.memref_slice %arg6[%add3A_280, %dma_wait3A_287] : memref<640000x128xf32, #tpu.memory_space<hbm>> -> memref<128x128xf32, #tpu.memory_space<hbm>>
        tpu.wait_dma2 semaphore(%arg17 : memref<!tpu.dma_semaphore, #tpu.memory_space<semaphore_mem>>) src(%arg12 : memref<128x128xf32, #tpu.memory_space<vmem>>) dst(%dma_wait3A_288 : memref<128x128xf32, #tpu.memory_space<hbm>>)
        %dma_start3A_289 = arith.constant 11 : i32
        %dma_start3A_290 = arith.constant 0 : i32
        %dma_start3A_291 = tpu.memref_slice %arg10[%dma_start3A_289, %dma_start3A_290] : memref<40x128xi32, #tpu.memory_space<vmem>> -> memref<1x128xi32, #tpu.memory_space<vmem>>
        %dma_start3A_292 = tpu.memref_squeeze %dma_start3A_291 : memref<1x128xi32, #tpu.memory_space<vmem>> -> memref<128xi32, #tpu.memory_space<vmem>>
        %dma_start3A_293 = arith.constant 0 : i32
        %dma_start3A_294 = arith.constant 0 : i32
        %dma_start3A_295 = tpu.memref_slice %arg13[%dma_start3A_293, %dma_start3A_294] : memref<60x128xf32, #tpu.memory_space<vmem_shared>> -> memref<60x128xf32, #tpu.memory_space<vmem_shared>>
        tpu.enqueue_indirect_dma source(%dma_start3A_295 : memref<60x128xf32, #tpu.memory_space<vmem_shared>>) target(%arg12 : memref<128x128xf32, #tpu.memory_space<vmem>>) offsets(%dma_start3A_292 : memref<128xi32, #tpu.memory_space<vmem>>) semaphore(%arg15 : memref<!tpu.dma_semaphore, #tpu.memory_space<semaphore_mem>>)
        %dma_wait3A_296 = arith.constant 10 : i32
        %dma_wait3A_297 = arith.constant 0 : i32
        %dma_wait3A_298 = tpu.memref_slice %arg10[%dma_wait3A_296, %dma_wait3A_297] : memref<40x128xi32, #tpu.memory_space<vmem>> -> memref<1x128xi32, #tpu.memory_space<vmem>>
        %dma_wait3A_299 = tpu.memref_squeeze %dma_wait3A_298 : memref<1x128xi32, #tpu.memory_space<vmem>> -> memref<128xi32, #tpu.memory_space<vmem>>
        %dma_wait3A_300 = arith.constant 0 : i32
        %dma_wait3A_301 = arith.constant 0 : i32
        %dma_wait3A_302 = tpu.memref_slice %arg13[%dma_wait3A_300, %dma_wait3A_301] : memref<60x128xf32, #tpu.memory_space<vmem_shared>> -> memref<60x128xf32, #tpu.memory_space<vmem_shared>>
        tpu.wait_indirect_dma semaphore(%arg14 : memref<!tpu.dma_semaphore, #tpu.memory_space<semaphore_mem>>) src(%dma_wait3A_302 : memref<60x128xf32, #tpu.memory_space<vmem_shared>>) dst(%arg11 : memref<128x128xf32, #tpu.memory_space<vmem>>)
        %mul3A_303 = arith.constant 5120 : i32
        %mul3A_304 = arith.muli %add3A_11, %mul3A_303 : i32
        %add3A_305 = arith.constant 1280 : i32
        %add3A_306 = arith.addi %mul3A_304, %add3A_305 : i32
        %dma_start3A_307 = arith.constant 0 : i32
        %dma_start3A_308 = tpu.memref_slice %arg6[%add3A_306, %dma_start3A_307] : memref<640000x128xf32, #tpu.memory_space<hbm>> -> memref<128x128xf32, #tpu.memory_space<hbm>>
        %dma_start3A_309 = arith.constant 0 : i32
        %dma_start3A_310 = tpu.memref_slice %arg6[%add3A_306, %dma_start3A_309] : memref<640000x128xf32, #tpu.memory_space<hbm>> -> memref<128x128xf32, #tpu.memory_space<hbm>>
        tpu.enqueue_dma source(%arg11 : memref<128x128xf32, #tpu.memory_space<vmem>>) target(%dma_start3A_310 : memref<128x128xf32, #tpu.memory_space<hbm>>) target_semaphore(%arg16 : memref<!tpu.dma_semaphore, #tpu.memory_space<semaphore_mem>>)
        %dma_wait3A_311 = arith.constant 0 : i32
        %dma_wait3A_312 = tpu.memref_slice %arg6[%add3A_306, %dma_wait3A_311] : memref<640000x128xf32, #tpu.memory_space<hbm>> -> memref<128x128xf32, #tpu.memory_space<hbm>>
        %dma_wait3A_313 = arith.constant 0 : i32
        %dma_wait3A_314 = tpu.memref_slice %arg6[%add3A_306, %dma_wait3A_313] : memref<640000x128xf32, #tpu.memory_space<hbm>> -> memref<128x128xf32, #tpu.memory_space<hbm>>
        tpu.wait_dma2 semaphore(%arg16 : memref<!tpu.dma_semaphore, #tpu.memory_space<semaphore_mem>>) src(%arg11 : memref<128x128xf32, #tpu.memory_space<vmem>>) dst(%dma_wait3A_314 : memref<128x128xf32, #tpu.memory_space<hbm>>)
        %dma_start3A_315 = arith.constant 12 : i32
        %dma_start3A_316 = arith.constant 0 : i32
        %dma_start3A_317 = tpu.memref_slice %arg10[%dma_start3A_315, %dma_start3A_316] : memref<40x128xi32, #tpu.memory_space<vmem>> -> memref<1x128xi32, #tpu.memory_space<vmem>>
        %dma_start3A_318 = tpu.memref_squeeze %dma_start3A_317 : memref<1x128xi32, #tpu.memory_space<vmem>> -> memref<128xi32, #tpu.memory_space<vmem>>
        %dma_start3A_319 = arith.constant 0 : i32
        %dma_start3A_320 = arith.constant 0 : i32
        %dma_start3A_321 = tpu.memref_slice %arg13[%dma_start3A_319, %dma_start3A_320] : memref<60x128xf32, #tpu.memory_space<vmem_shared>> -> memref<60x128xf32, #tpu.memory_space<vmem_shared>>
        tpu.enqueue_indirect_dma source(%dma_start3A_321 : memref<60x128xf32, #tpu.memory_space<vmem_shared>>) target(%arg11 : memref<128x128xf32, #tpu.memory_space<vmem>>) offsets(%dma_start3A_318 : memref<128xi32, #tpu.memory_space<vmem>>) semaphore(%arg14 : memref<!tpu.dma_semaphore, #tpu.memory_space<semaphore_mem>>)
        %dma_wait3A_322 = arith.constant 11 : i32
        %dma_wait3A_323 = arith.constant 0 : i32
        %dma_wait3A_324 = tpu.memref_slice %arg10[%dma_wait3A_322, %dma_wait3A_323] : memref<40x128xi32, #tpu.memory_space<vmem>> -> memref<1x128xi32, #tpu.memory_space<vmem>>
        %dma_wait3A_325 = tpu.memref_squeeze %dma_wait3A_324 : memref<1x128xi32, #tpu.memory_space<vmem>> -> memref<128xi32, #tpu.memory_space<vmem>>
        %dma_wait3A_326 = arith.constant 0 : i32
        %dma_wait3A_327 = arith.constant 0 : i32
        %dma_wait3A_328 = tpu.memref_slice %arg13[%dma_wait3A_326, %dma_wait3A_327] : memref<60x128xf32, #tpu.memory_space<vmem_shared>> -> memref<60x128xf32, #tpu.memory_space<vmem_shared>>
        tpu.wait_indirect_dma semaphore(%arg15 : memref<!tpu.dma_semaphore, #tpu.memory_space<semaphore_mem>>) src(%dma_wait3A_328 : memref<60x128xf32, #tpu.memory_space<vmem_shared>>) dst(%arg12 : memref<128x128xf32, #tpu.memory_space<vmem>>)
        %mul3A_329 = arith.constant 5120 : i32
        %mul3A_330 = arith.muli %add3A_11, %mul3A_329 : i32
        %add3A_331 = arith.constant 1408 : i32
        %add3A_332 = arith.addi %mul3A_330, %add3A_331 : i32
        %dma_start3A_333 = arith.constant 0 : i32
        %dma_start3A_334 = tpu.memref_slice %arg6[%add3A_332, %dma_start3A_333] : memref<640000x128xf32, #tpu.memory_space<hbm>> -> memref<128x128xf32, #tpu.memory_space<hbm>>
        %dma_start3A_335 = arith.constant 0 : i32
        %dma_start3A_336 = tpu.memref_slice %arg6[%add3A_332, %dma_start3A_335] : memref<640000x128xf32, #tpu.memory_space<hbm>> -> memref<128x128xf32, #tpu.memory_space<hbm>>
        tpu.enqueue_dma source(%arg12 : memref<128x128xf32, #tpu.memory_space<vmem>>) target(%dma_start3A_336 : memref<128x128xf32, #tpu.memory_space<hbm>>) target_semaphore(%arg17 : memref<!tpu.dma_semaphore, #tpu.memory_space<semaphore_mem>>)
        %dma_wait3A_337 = arith.constant 0 : i32
        %dma_wait3A_338 = tpu.memref_slice %arg6[%add3A_332, %dma_wait3A_337] : memref<640000x128xf32, #tpu.memory_space<hbm>> -> memref<128x128xf32, #tpu.memory_space<hbm>>
        %dma_wait3A_339 = arith.constant 0 : i32
        %dma_wait3A_340 = tpu.memref_slice %arg6[%add3A_332, %dma_wait3A_339] : memref<640000x128xf32, #tpu.memory_space<hbm>> -> memref<128x128xf32, #tpu.memory_space<hbm>>
        tpu.wait_dma2 semaphore(%arg17 : memref<!tpu.dma_semaphore, #tpu.memory_space<semaphore_mem>>) src(%arg12 : memref<128x128xf32, #tpu.memory_space<vmem>>) dst(%dma_wait3A_340 : memref<128x128xf32, #tpu.memory_space<hbm>>)
        %dma_start3A_341 = arith.constant 13 : i32
        %dma_start3A_342 = arith.constant 0 : i32
        %dma_start3A_343 = tpu.memref_slice %arg10[%dma_start3A_341, %dma_start3A_342] : memref<40x128xi32, #tpu.memory_space<vmem>> -> memref<1x128xi32, #tpu.memory_space<vmem>>
        %dma_start3A_344 = tpu.memref_squeeze %dma_start3A_343 : memref<1x128xi32, #tpu.memory_space<vmem>> -> memref<128xi32, #tpu.memory_space<vmem>>
        %dma_start3A_345 = arith.constant 0 : i32
        %dma_start3A_346 = arith.constant 0 : i32
        %dma_start3A_347 = tpu.memref_slice %arg13[%dma_start3A_345, %dma_start3A_346] : memref<60x128xf32, #tpu.memory_space<vmem_shared>> -> memref<60x128xf32, #tpu.memory_space<vmem_shared>>
        tpu.enqueue_indirect_dma source(%dma_start3A_347 : memref<60x128xf32, #tpu.memory_space<vmem_shared>>) target(%arg12 : memref<128x128xf32, #tpu.memory_space<vmem>>) offsets(%dma_start3A_344 : memref<128xi32, #tpu.memory_space<vmem>>) semaphore(%arg15 : memref<!tpu.dma_semaphore, #tpu.memory_space<semaphore_mem>>)
        %dma_wait3A_348 = arith.constant 12 : i32
        %dma_wait3A_349 = arith.constant 0 : i32
        %dma_wait3A_350 = tpu.memref_slice %arg10[%dma_wait3A_348, %dma_wait3A_349] : memref<40x128xi32, #tpu.memory_space<vmem>> -> memref<1x128xi32, #tpu.memory_space<vmem>>
        %dma_wait3A_351 = tpu.memref_squeeze %dma_wait3A_350 : memref<1x128xi32, #tpu.memory_space<vmem>> -> memref<128xi32, #tpu.memory_space<vmem>>
        %dma_wait3A_352 = arith.constant 0 : i32
        %dma_wait3A_353 = arith.constant 0 : i32
        %dma_wait3A_354 = tpu.memref_slice %arg13[%dma_wait3A_352, %dma_wait3A_353] : memref<60x128xf32, #tpu.memory_space<vmem_shared>> -> memref<60x128xf32, #tpu.memory_space<vmem_shared>>
        tpu.wait_indirect_dma semaphore(%arg14 : memref<!tpu.dma_semaphore, #tpu.memory_space<semaphore_mem>>) src(%dma_wait3A_354 : memref<60x128xf32, #tpu.memory_space<vmem_shared>>) dst(%arg11 : memref<128x128xf32, #tpu.memory_space<vmem>>)
        %mul3A_355 = arith.constant 5120 : i32
        %mul3A_356 = arith.muli %add3A_11, %mul3A_355 : i32
        %add3A_357 = arith.constant 1536 : i32
        %add3A_358 = arith.addi %mul3A_356, %add3A_357 : i32
        %dma_start3A_359 = arith.constant 0 : i32
        %dma_start3A_360 = tpu.memref_slice %arg6[%add3A_358, %dma_start3A_359] : memref<640000x128xf32, #tpu.memory_space<hbm>> -> memref<128x128xf32, #tpu.memory_space<hbm>>
        %dma_start3A_361 = arith.constant 0 : i32
        %dma_start3A_362 = tpu.memref_slice %arg6[%add3A_358, %dma_start3A_361] : memref<640000x128xf32, #tpu.memory_space<hbm>> -> memref<128x128xf32, #tpu.memory_space<hbm>>
        tpu.enqueue_dma source(%arg11 : memref<128x128xf32, #tpu.memory_space<vmem>>) target(%dma_start3A_362 : memref<128x128xf32, #tpu.memory_space<hbm>>) target_semaphore(%arg16 : memref<!tpu.dma_semaphore, #tpu.memory_space<semaphore_mem>>)
        %dma_wait3A_363 = arith.constant 0 : i32
        %dma_wait3A_364 = tpu.memref_slice %arg6[%add3A_358, %dma_wait3A_363] : memref<640000x128xf32, #tpu.memory_space<hbm>> -> memref<128x128xf32, #tpu.memory_space<hbm>>
        %dma_wait3A_365 = arith.constant 0 : i32
        %dma_wait3A_366 = tpu.memref_slice %arg6[%add3A_358, %dma_wait3A_365] : memref<640000x128xf32, #tpu.memory_space<hbm>> -> memref<128x128xf32, #tpu.memory_space<hbm>>
        tpu.wait_dma2 semaphore(%arg16 : memref<!tpu.dma_semaphore, #tpu.memory_space<semaphore_mem>>) src(%arg11 : memref<128x128xf32, #tpu.memory_space<vmem>>) dst(%dma_wait3A_366 : memref<128x128xf32, #tpu.memory_space<hbm>>)
        %dma_start3A_367 = arith.constant 14 : i32
        %dma_start3A_368 = arith.constant 0 : i32
        %dma_start3A_369 = tpu.memref_slice %arg10[%dma_start3A_367, %dma_start3A_368] : memref<40x128xi32, #tpu.memory_space<vmem>> -> memref<1x128xi32, #tpu.memory_space<vmem>>
        %dma_start3A_370 = tpu.memref_squeeze %dma_start3A_369 : memref<1x128xi32, #tpu.memory_space<vmem>> -> memref<128xi32, #tpu.memory_space<vmem>>
        %dma_start3A_371 = arith.constant 0 : i32
        %dma_start3A_372 = arith.constant 0 : i32
        %dma_start3A_373 = tpu.memref_slice %arg13[%dma_start3A_371, %dma_start3A_372] : memref<60x128xf32, #tpu.memory_space<vmem_shared>> -> memref<60x128xf32, #tpu.memory_space<vmem_shared>>
        tpu.enqueue_indirect_dma source(%dma_start3A_373 : memref<60x128xf32, #tpu.memory_space<vmem_shared>>) target(%arg11 : memref<128x128xf32, #tpu.memory_space<vmem>>) offsets(%dma_start3A_370 : memref<128xi32, #tpu.memory_space<vmem>>) semaphore(%arg14 : memref<!tpu.dma_semaphore, #tpu.memory_space<semaphore_mem>>)
        %dma_wait3A_374 = arith.constant 13 : i32
        %dma_wait3A_375 = arith.constant 0 : i32
        %dma_wait3A_376 = tpu.memref_slice %arg10[%dma_wait3A_374, %dma_wait3A_375] : memref<40x128xi32, #tpu.memory_space<vmem>> -> memref<1x128xi32, #tpu.memory_space<vmem>>
        %dma_wait3A_377 = tpu.memref_squeeze %dma_wait3A_376 : memref<1x128xi32, #tpu.memory_space<vmem>> -> memref<128xi32, #tpu.memory_space<vmem>>
        %dma_wait3A_378 = arith.constant 0 : i32
        %dma_wait3A_379 = arith.constant 0 : i32
        %dma_wait3A_380 = tpu.memref_slice %arg13[%dma_wait3A_378, %dma_wait3A_379] : memref<60x128xf32, #tpu.memory_space<vmem_shared>> -> memref<60x128xf32, #tpu.memory_space<vmem_shared>>
        tpu.wait_indirect_dma semaphore(%arg15 : memref<!tpu.dma_semaphore, #tpu.memory_space<semaphore_mem>>) src(%dma_wait3A_380 : memref<60x128xf32, #tpu.memory_space<vmem_shared>>) dst(%arg12 : memref<128x128xf32, #tpu.memory_space<vmem>>)
        %mul3A_381 = arith.constant 5120 : i32
        %mul3A_382 = arith.muli %add3A_11, %mul3A_381 : i32
        %add3A_383 = arith.constant 1664 : i32
        %add3A_384 = arith.addi %mul3A_382, %add3A_383 : i32
        %dma_start3A_385 = arith.constant 0 : i32
        %dma_start3A_386 = tpu.memref_slice %arg6[%add3A_384, %dma_start3A_385] : memref<640000x128xf32, #tpu.memory_space<hbm>> -> memref<128x128xf32, #tpu.memory_space<hbm>>
        %dma_start3A_387 = arith.constant 0 : i32
        %dma_start3A_388 = tpu.memref_slice %arg6[%add3A_384, %dma_start3A_387] : memref<640000x128xf32, #tpu.memory_space<hbm>> -> memref<128x128xf32, #tpu.memory_space<hbm>>
        tpu.enqueue_dma source(%arg12 : memref<128x128xf32, #tpu.memory_space<vmem>>) target(%dma_start3A_388 : memref<128x128xf32, #tpu.memory_space<hbm>>) target_semaphore(%arg17 : memref<!tpu.dma_semaphore, #tpu.memory_space<semaphore_mem>>)
        %dma_wait3A_389 = arith.constant 0 : i32
        %dma_wait3A_390 = tpu.memref_slice %arg6[%add3A_384, %dma_wait3A_389] : memref<640000x128xf32, #tpu.memory_space<hbm>> -> memref<128x128xf32, #tpu.memory_space<hbm>>
        %dma_wait3A_391 = arith.constant 0 : i32
        %dma_wait3A_392 = tpu.memref_slice %arg6[%add3A_384, %dma_wait3A_391] : memref<640000x128xf32, #tpu.memory_space<hbm>> -> memref<128x128xf32, #tpu.memory_space<hbm>>
        tpu.wait_dma2 semaphore(%arg17 : memref<!tpu.dma_semaphore, #tpu.memory_space<semaphore_mem>>) src(%arg12 : memref<128x128xf32, #tpu.memory_space<vmem>>) dst(%dma_wait3A_392 : memref<128x128xf32, #tpu.memory_space<hbm>>)
        %dma_start3A_393 = arith.constant 15 : i32
        %dma_start3A_394 = arith.constant 0 : i32
        %dma_start3A_395 = tpu.memref_slice %arg10[%dma_start3A_393, %dma_start3A_394] : memref<40x128xi32, #tpu.memory_space<vmem>> -> memref<1x128xi32, #tpu.memory_space<vmem>>
        %dma_start3A_396 = tpu.memref_squeeze %dma_start3A_395 : memref<1x128xi32, #tpu.memory_space<vmem>> -> memref<128xi32, #tpu.memory_space<vmem>>
        %dma_start3A_397 = arith.constant 0 : i32
        %dma_start3A_398 = arith.constant 0 : i32
        %dma_start3A_399 = tpu.memref_slice %arg13[%dma_start3A_397, %dma_start3A_398] : memref<60x128xf32, #tpu.memory_space<vmem_shared>> -> memref<60x128xf32, #tpu.memory_space<vmem_shared>>
        tpu.enqueue_indirect_dma source(%dma_start3A_399 : memref<60x128xf32, #tpu.memory_space<vmem_shared>>) target(%arg12 : memref<128x128xf32, #tpu.memory_space<vmem>>) offsets(%dma_start3A_396 : memref<128xi32, #tpu.memory_space<vmem>>) semaphore(%arg15 : memref<!tpu.dma_semaphore, #tpu.memory_space<semaphore_mem>>)
        %dma_wait3A_400 = arith.constant 14 : i32
        %dma_wait3A_401 = arith.constant 0 : i32
        %dma_wait3A_402 = tpu.memref_slice %arg10[%dma_wait3A_400, %dma_wait3A_401] : memref<40x128xi32, #tpu.memory_space<vmem>> -> memref<1x128xi32, #tpu.memory_space<vmem>>
        %dma_wait3A_403 = tpu.memref_squeeze %dma_wait3A_402 : memref<1x128xi32, #tpu.memory_space<vmem>> -> memref<128xi32, #tpu.memory_space<vmem>>
        %dma_wait3A_404 = arith.constant 0 : i32
        %dma_wait3A_405 = arith.constant 0 : i32
        %dma_wait3A_406 = tpu.memref_slice %arg13[%dma_wait3A_404, %dma_wait3A_405] : memref<60x128xf32, #tpu.memory_space<vmem_shared>> -> memref<60x128xf32, #tpu.memory_space<vmem_shared>>
        tpu.wait_indirect_dma semaphore(%arg14 : memref<!tpu.dma_semaphore, #tpu.memory_space<semaphore_mem>>) src(%dma_wait3A_406 : memref<60x128xf32, #tpu.memory_space<vmem_shared>>) dst(%arg11 : memref<128x128xf32, #tpu.memory_space<vmem>>)
        %mul3A_407 = arith.constant 5120 : i32
        %mul3A_408 = arith.muli %add3A_11, %mul3A_407 : i32
        %add3A_409 = arith.constant 1792 : i32
        %add3A_410 = arith.addi %mul3A_408, %add3A_409 : i32
        %dma_start3A_411 = arith.constant 0 : i32
        %dma_start3A_412 = tpu.memref_slice %arg6[%add3A_410, %dma_start3A_411] : memref<640000x128xf32, #tpu.memory_space<hbm>> -> memref<128x128xf32, #tpu.memory_space<hbm>>
        %dma_start3A_413 = arith.constant 0 : i32
        %dma_start3A_414 = tpu.memref_slice %arg6[%add3A_410, %dma_start3A_413] : memref<640000x128xf32, #tpu.memory_space<hbm>> -> memref<128x128xf32, #tpu.memory_space<hbm>>
        tpu.enqueue_dma source(%arg11 : memref<128x128xf32, #tpu.memory_space<vmem>>) target(%dma_start3A_414 : memref<128x128xf32, #tpu.memory_space<hbm>>) target_semaphore(%arg16 : memref<!tpu.dma_semaphore, #tpu.memory_space<semaphore_mem>>)
        %dma_wait3A_415 = arith.constant 0 : i32
        %dma_wait3A_416 = tpu.memref_slice %arg6[%add3A_410, %dma_wait3A_415] : memref<640000x128xf32, #tpu.memory_space<hbm>> -> memref<128x128xf32, #tpu.memory_space<hbm>>
        %dma_wait3A_417 = arith.constant 0 : i32
        %dma_wait3A_418 = tpu.memref_slice %arg6[%add3A_410, %dma_wait3A_417] : memref<640000x128xf32, #tpu.memory_space<hbm>> -> memref<128x128xf32, #tpu.memory_space<hbm>>
        tpu.wait_dma2 semaphore(%arg16 : memref<!tpu.dma_semaphore, #tpu.memory_space<semaphore_mem>>) src(%arg11 : memref<128x128xf32, #tpu.memory_space<vmem>>) dst(%dma_wait3A_418 : memref<128x128xf32, #tpu.memory_space<hbm>>)
        %dma_start3A_419 = arith.constant 16 : i32
        %dma_start3A_420 = arith.constant 0 : i32
        %dma_start3A_421 = tpu.memref_slice %arg10[%dma_start3A_419, %dma_start3A_420] : memref<40x128xi32, #tpu.memory_space<vmem>> -> memref<1x128xi32, #tpu.memory_space<vmem>>
        %dma_start3A_422 = tpu.memref_squeeze %dma_start3A_421 : memref<1x128xi32, #tpu.memory_space<vmem>> -> memref<128xi32, #tpu.memory_space<vmem>>
        %dma_start3A_423 = arith.constant 0 : i32
        %dma_start3A_424 = arith.constant 0 : i32
        %dma_start3A_425 = tpu.memref_slice %arg13[%dma_start3A_423, %dma_start3A_424] : memref<60x128xf32, #tpu.memory_space<vmem_shared>> -> memref<60x128xf32, #tpu.memory_space<vmem_shared>>
        tpu.enqueue_indirect_dma source(%dma_start3A_425 : memref<60x128xf32, #tpu.memory_space<vmem_shared>>) target(%arg11 : memref<128x128xf32, #tpu.memory_space<vmem>>) offsets(%dma_start3A_422 : memref<128xi32, #tpu.memory_space<vmem>>) semaphore(%arg14 : memref<!tpu.dma_semaphore, #tpu.memory_space<semaphore_mem>>)
        %dma_wait3A_426 = arith.constant 15 : i32
        %dma_wait3A_427 = arith.constant 0 : i32
        %dma_wait3A_428 = tpu.memref_slice %arg10[%dma_wait3A_426, %dma_wait3A_427] : memref<40x128xi32, #tpu.memory_space<vmem>> -> memref<1x128xi32, #tpu.memory_space<vmem>>
        %dma_wait3A_429 = tpu.memref_squeeze %dma_wait3A_428 : memref<1x128xi32, #tpu.memory_space<vmem>> -> memref<128xi32, #tpu.memory_space<vmem>>
        %dma_wait3A_430 = arith.constant 0 : i32
        %dma_wait3A_431 = arith.constant 0 : i32
        %dma_wait3A_432 = tpu.memref_slice %arg13[%dma_wait3A_430, %dma_wait3A_431] : memref<60x128xf32, #tpu.memory_space<vmem_shared>> -> memref<60x128xf32, #tpu.memory_space<vmem_shared>>
        tpu.wait_indirect_dma semaphore(%arg15 : memref<!tpu.dma_semaphore, #tpu.memory_space<semaphore_mem>>) src(%dma_wait3A_432 : memref<60x128xf32, #tpu.memory_space<vmem_shared>>) dst(%arg12 : memref<128x128xf32, #tpu.memory_space<vmem>>)
        %mul3A_433 = arith.constant 5120 : i32
        %mul3A_434 = arith.muli %add3A_11, %mul3A_433 : i32
        %add3A_435 = arith.constant 1920 : i32
        %add3A_436 = arith.addi %mul3A_434, %add3A_435 : i32
        %dma_start3A_437 = arith.constant 0 : i32
        %dma_start3A_438 = tpu.memref_slice %arg6[%add3A_436, %dma_start3A_437] : memref<640000x128xf32, #tpu.memory_space<hbm>> -> memref<128x128xf32, #tpu.memory_space<hbm>>
        %dma_start3A_439 = arith.constant 0 : i32
        %dma_start3A_440 = tpu.memref_slice %arg6[%add3A_436, %dma_start3A_439] : memref<640000x128xf32, #tpu.memory_space<hbm>> -> memref<128x128xf32, #tpu.memory_space<hbm>>
        tpu.enqueue_dma source(%arg12 : memref<128x128xf32, #tpu.memory_space<vmem>>) target(%dma_start3A_440 : memref<128x128xf32, #tpu.memory_space<hbm>>) target_semaphore(%arg17 : memref<!tpu.dma_semaphore, #tpu.memory_space<semaphore_mem>>)
        %dma_wait3A_441 = arith.constant 0 : i32
        %dma_wait3A_442 = tpu.memref_slice %arg6[%add3A_436, %dma_wait3A_441] : memref<640000x128xf32, #tpu.memory_space<hbm>> -> memref<128x128xf32, #tpu.memory_space<hbm>>
        %dma_wait3A_443 = arith.constant 0 : i32
        %dma_wait3A_444 = tpu.memref_slice %arg6[%add3A_436, %dma_wait3A_443] : memref<640000x128xf32, #tpu.memory_space<hbm>> -> memref<128x128xf32, #tpu.memory_space<hbm>>
        tpu.wait_dma2 semaphore(%arg17 : memref<!tpu.dma_semaphore, #tpu.memory_space<semaphore_mem>>) src(%arg12 : memref<128x128xf32, #tpu.memory_space<vmem>>) dst(%dma_wait3A_444 : memref<128x128xf32, #tpu.memory_space<hbm>>)
        %dma_start3A_445 = arith.constant 17 : i32
        %dma_start3A_446 = arith.constant 0 : i32
        %dma_start3A_447 = tpu.memref_slice %arg10[%dma_start3A_445, %dma_start3A_446] : memref<40x128xi32, #tpu.memory_space<vmem>> -> memref<1x128xi32, #tpu.memory_space<vmem>>
        %dma_start3A_448 = tpu.memref_squeeze %dma_start3A_447 : memref<1x128xi32, #tpu.memory_space<vmem>> -> memref<128xi32, #tpu.memory_space<vmem>>
        %dma_start3A_449 = arith.constant 0 : i32
        %dma_start3A_450 = arith.constant 0 : i32
        %dma_start3A_451 = tpu.memref_slice %arg13[%dma_start3A_449, %dma_start3A_450] : memref<60x128xf32, #tpu.memory_space<vmem_shared>> -> memref<60x128xf32, #tpu.memory_space<vmem_shared>>
        tpu.enqueue_indirect_dma source(%dma_start3A_451 : memref<60x128xf32, #tpu.memory_space<vmem_shared>>) target(%arg12 : memref<128x128xf32, #tpu.memory_space<vmem>>) offsets(%dma_start3A_448 : memref<128xi32, #tpu.memory_space<vmem>>) semaphore(%arg15 : memref<!tpu.dma_semaphore, #tpu.memory_space<semaphore_mem>>)
        %dma_wait3A_452 = arith.constant 16 : i32
        %dma_wait3A_453 = arith.constant 0 : i32
        %dma_wait3A_454 = tpu.memref_slice %arg10[%dma_wait3A_452, %dma_wait3A_453] : memref<40x128xi32, #tpu.memory_space<vmem>> -> memref<1x128xi32, #tpu.memory_space<vmem>>
        %dma_wait3A_455 = tpu.memref_squeeze %dma_wait3A_454 : memref<1x128xi32, #tpu.memory_space<vmem>> -> memref<128xi32, #tpu.memory_space<vmem>>
        %dma_wait3A_456 = arith.constant 0 : i32
        %dma_wait3A_457 = arith.constant 0 : i32
        %dma_wait3A_458 = tpu.memref_slice %arg13[%dma_wait3A_456, %dma_wait3A_457] : memref<60x128xf32, #tpu.memory_space<vmem_shared>> -> memref<60x128xf32, #tpu.memory_space<vmem_shared>>
        tpu.wait_indirect_dma semaphore(%arg14 : memref<!tpu.dma_semaphore, #tpu.memory_space<semaphore_mem>>) src(%dma_wait3A_458 : memref<60x128xf32, #tpu.memory_space<vmem_shared>>) dst(%arg11 : memref<128x128xf32, #tpu.memory_space<vmem>>)
        %mul3A_459 = arith.constant 5120 : i32
        %mul3A_460 = arith.muli %add3A_11, %mul3A_459 : i32
        %add3A_461 = arith.constant 2048 : i32
        %add3A_462 = arith.addi %mul3A_460, %add3A_461 : i32
        %dma_start3A_463 = arith.constant 0 : i32
        %dma_start3A_464 = tpu.memref_slice %arg6[%add3A_462, %dma_start3A_463] : memref<640000x128xf32, #tpu.memory_space<hbm>> -> memref<128x128xf32, #tpu.memory_space<hbm>>
        %dma_start3A_465 = arith.constant 0 : i32
        %dma_start3A_466 = tpu.memref_slice %arg6[%add3A_462, %dma_start3A_465] : memref<640000x128xf32, #tpu.memory_space<hbm>> -> memref<128x128xf32, #tpu.memory_space<hbm>>
        tpu.enqueue_dma source(%arg11 : memref<128x128xf32, #tpu.memory_space<vmem>>) target(%dma_start3A_466 : memref<128x128xf32, #tpu.memory_space<hbm>>) target_semaphore(%arg16 : memref<!tpu.dma_semaphore, #tpu.memory_space<semaphore_mem>>)
        %dma_wait3A_467 = arith.constant 0 : i32
        %dma_wait3A_468 = tpu.memref_slice %arg6[%add3A_462, %dma_wait3A_467] : memref<640000x128xf32, #tpu.memory_space<hbm>> -> memref<128x128xf32, #tpu.memory_space<hbm>>
        %dma_wait3A_469 = arith.constant 0 : i32
        %dma_wait3A_470 = tpu.memref_slice %arg6[%add3A_462, %dma_wait3A_469] : memref<640000x128xf32, #tpu.memory_space<hbm>> -> memref<128x128xf32, #tpu.memory_space<hbm>>
        tpu.wait_dma2 semaphore(%arg16 : memref<!tpu.dma_semaphore, #tpu.memory_space<semaphore_mem>>) src(%arg11 : memref<128x128xf32, #tpu.memory_space<vmem>>) dst(%dma_wait3A_470 : memref<128x128xf32, #tpu.memory_space<hbm>>)
        %dma_start3A_471 = arith.constant 18 : i32
        %dma_start3A_472 = arith.constant 0 : i32
        %dma_start3A_473 = tpu.memref_slice %arg10[%dma_start3A_471, %dma_start3A_472] : memref<40x128xi32, #tpu.memory_space<vmem>> -> memref<1x128xi32, #tpu.memory_space<vmem>>
        %dma_start3A_474 = tpu.memref_squeeze %dma_start3A_473 : memref<1x128xi32, #tpu.memory_space<vmem>> -> memref<128xi32, #tpu.memory_space<vmem>>
        %dma_start3A_475 = arith.constant 0 : i32
        %dma_start3A_476 = arith.constant 0 : i32
        %dma_start3A_477 = tpu.memref_slice %arg13[%dma_start3A_475, %dma_start3A_476] : memref<60x128xf32, #tpu.memory_space<vmem_shared>> -> memref<60x128xf32, #tpu.memory_space<vmem_shared>>
        tpu.enqueue_indirect_dma source(%dma_start3A_477 : memref<60x128xf32, #tpu.memory_space<vmem_shared>>) target(%arg11 : memref<128x128xf32, #tpu.memory_space<vmem>>) offsets(%dma_start3A_474 : memref<128xi32, #tpu.memory_space<vmem>>) semaphore(%arg14 : memref<!tpu.dma_semaphore, #tpu.memory_space<semaphore_mem>>)
        %dma_wait3A_478 = arith.constant 17 : i32
        %dma_wait3A_479 = arith.constant 0 : i32
        %dma_wait3A_480 = tpu.memref_slice %arg10[%dma_wait3A_478, %dma_wait3A_479] : memref<40x128xi32, #tpu.memory_space<vmem>> -> memref<1x128xi32, #tpu.memory_space<vmem>>
        %dma_wait3A_481 = tpu.memref_squeeze %dma_wait3A_480 : memref<1x128xi32, #tpu.memory_space<vmem>> -> memref<128xi32, #tpu.memory_space<vmem>>
        %dma_wait3A_482 = arith.constant 0 : i32
        %dma_wait3A_483 = arith.constant 0 : i32
        %dma_wait3A_484 = tpu.memref_slice %arg13[%dma_wait3A_482, %dma_wait3A_483] : memref<60x128xf32, #tpu.memory_space<vmem_shared>> -> memref<60x128xf32, #tpu.memory_space<vmem_shared>>
        tpu.wait_indirect_dma semaphore(%arg15 : memref<!tpu.dma_semaphore, #tpu.memory_space<semaphore_mem>>) src(%dma_wait3A_484 : memref<60x128xf32, #tpu.memory_space<vmem_shared>>) dst(%arg12 : memref<128x128xf32, #tpu.memory_space<vmem>>)
        %mul3A_485 = arith.constant 5120 : i32
        %mul3A_486 = arith.muli %add3A_11, %mul3A_485 : i32
        %add3A_487 = arith.constant 2176 : i32
        %add3A_488 = arith.addi %mul3A_486, %add3A_487 : i32
        %dma_start3A_489 = arith.constant 0 : i32
        %dma_start3A_490 = tpu.memref_slice %arg6[%add3A_488, %dma_start3A_489] : memref<640000x128xf32, #tpu.memory_space<hbm>> -> memref<128x128xf32, #tpu.memory_space<hbm>>
        %dma_start3A_491 = arith.constant 0 : i32
        %dma_start3A_492 = tpu.memref_slice %arg6[%add3A_488, %dma_start3A_491] : memref<640000x128xf32, #tpu.memory_space<hbm>> -> memref<128x128xf32, #tpu.memory_space<hbm>>
        tpu.enqueue_dma source(%arg12 : memref<128x128xf32, #tpu.memory_space<vmem>>) target(%dma_start3A_492 : memref<128x128xf32, #tpu.memory_space<hbm>>) target_semaphore(%arg17 : memref<!tpu.dma_semaphore, #tpu.memory_space<semaphore_mem>>)
        %dma_wait3A_493 = arith.constant 0 : i32
        %dma_wait3A_494 = tpu.memref_slice %arg6[%add3A_488, %dma_wait3A_493] : memref<640000x128xf32, #tpu.memory_space<hbm>> -> memref<128x128xf32, #tpu.memory_space<hbm>>
        %dma_wait3A_495 = arith.constant 0 : i32
        %dma_wait3A_496 = tpu.memref_slice %arg6[%add3A_488, %dma_wait3A_495] : memref<640000x128xf32, #tpu.memory_space<hbm>> -> memref<128x128xf32, #tpu.memory_space<hbm>>
        tpu.wait_dma2 semaphore(%arg17 : memref<!tpu.dma_semaphore, #tpu.memory_space<semaphore_mem>>) src(%arg12 : memref<128x128xf32, #tpu.memory_space<vmem>>) dst(%dma_wait3A_496 : memref<128x128xf32, #tpu.memory_space<hbm>>)
        %dma_start3A_497 = arith.constant 19 : i32
        %dma_start3A_498 = arith.constant 0 : i32
        %dma_start3A_499 = tpu.memref_slice %arg10[%dma_start3A_497, %dma_start3A_498] : memref<40x128xi32, #tpu.memory_space<vmem>> -> memref<1x128xi32, #tpu.memory_space<vmem>>
        %dma_start3A_500 = tpu.memref_squeeze %dma_start3A_499 : memref<1x128xi32, #tpu.memory_space<vmem>> -> memref<128xi32, #tpu.memory_space<vmem>>
        %dma_start3A_501 = arith.constant 0 : i32
        %dma_start3A_502 = arith.constant 0 : i32
        %dma_start3A_503 = tpu.memref_slice %arg13[%dma_start3A_501, %dma_start3A_502] : memref<60x128xf32, #tpu.memory_space<vmem_shared>> -> memref<60x128xf32, #tpu.memory_space<vmem_shared>>
        tpu.enqueue_indirect_dma source(%dma_start3A_503 : memref<60x128xf32, #tpu.memory_space<vmem_shared>>) target(%arg12 : memref<128x128xf32, #tpu.memory_space<vmem>>) offsets(%dma_start3A_500 : memref<128xi32, #tpu.memory_space<vmem>>) semaphore(%arg15 : memref<!tpu.dma_semaphore, #tpu.memory_space<semaphore_mem>>)
        %dma_wait3A_504 = arith.constant 18 : i32
        %dma_wait3A_505 = arith.constant 0 : i32
        %dma_wait3A_506 = tpu.memref_slice %arg10[%dma_wait3A_504, %dma_wait3A_505] : memref<40x128xi32, #tpu.memory_space<vmem>> -> memref<1x128xi32, #tpu.memory_space<vmem>>
        %dma_wait3A_507 = tpu.memref_squeeze %dma_wait3A_506 : memref<1x128xi32, #tpu.memory_space<vmem>> -> memref<128xi32, #tpu.memory_space<vmem>>
        %dma_wait3A_508 = arith.constant 0 : i32
        %dma_wait3A_509 = arith.constant 0 : i32
        %dma_wait3A_510 = tpu.memref_slice %arg13[%dma_wait3A_508, %dma_wait3A_509] : memref<60x128xf32, #tpu.memory_space<vmem_shared>> -> memref<60x128xf32, #tpu.memory_space<vmem_shared>>
        tpu.wait_indirect_dma semaphore(%arg14 : memref<!tpu.dma_semaphore, #tpu.memory_space<semaphore_mem>>) src(%dma_wait3A_510 : memref<60x128xf32, #tpu.memory_space<vmem_shared>>) dst(%arg11 : memref<128x128xf32, #tpu.memory_space<vmem>>)
        %mul3A_511 = arith.constant 5120 : i32
        %mul3A_512 = arith.muli %add3A_11, %mul3A_511 : i32
        %add3A_513 = arith.constant 2304 : i32
        %add3A_514 = arith.addi %mul3A_512, %add3A_513 : i32
        %dma_start3A_515 = arith.constant 0 : i32
        %dma_start3A_516 = tpu.memref_slice %arg6[%add3A_514, %dma_start3A_515] : memref<640000x128xf32, #tpu.memory_space<hbm>> -> memref<128x128xf32, #tpu.memory_space<hbm>>
        %dma_start3A_517 = arith.constant 0 : i32
        %dma_start3A_518 = tpu.memref_slice %arg6[%add3A_514, %dma_start3A_517] : memref<640000x128xf32, #tpu.memory_space<hbm>> -> memref<128x128xf32, #tpu.memory_space<hbm>>
        tpu.enqueue_dma source(%arg11 : memref<128x128xf32, #tpu.memory_space<vmem>>) target(%dma_start3A_518 : memref<128x128xf32, #tpu.memory_space<hbm>>) target_semaphore(%arg16 : memref<!tpu.dma_semaphore, #tpu.memory_space<semaphore_mem>>)
        %dma_wait3A_519 = arith.constant 0 : i32
        %dma_wait3A_520 = tpu.memref_slice %arg6[%add3A_514, %dma_wait3A_519] : memref<640000x128xf32, #tpu.memory_space<hbm>> -> memref<128x128xf32, #tpu.memory_space<hbm>>
        %dma_wait3A_521 = arith.constant 0 : i32
        %dma_wait3A_522 = tpu.memref_slice %arg6[%add3A_514, %dma_wait3A_521] : memref<640000x128xf32, #tpu.memory_space<hbm>> -> memref<128x128xf32, #tpu.memory_space<hbm>>
        tpu.wait_dma2 semaphore(%arg16 : memref<!tpu.dma_semaphore, #tpu.memory_space<semaphore_mem>>) src(%arg11 : memref<128x128xf32, #tpu.memory_space<vmem>>) dst(%dma_wait3A_522 : memref<128x128xf32, #tpu.memory_space<hbm>>)
        %dma_start3A_523 = arith.constant 20 : i32
        %dma_start3A_524 = arith.constant 0 : i32
        %dma_start3A_525 = tpu.memref_slice %arg10[%dma_start3A_523, %dma_start3A_524] : memref<40x128xi32, #tpu.memory_space<vmem>> -> memref<1x128xi32, #tpu.memory_space<vmem>>
        %dma_start3A_526 = tpu.memref_squeeze %dma_start3A_525 : memref<1x128xi32, #tpu.memory_space<vmem>> -> memref<128xi32, #tpu.memory_space<vmem>>
        %dma_start3A_527 = arith.constant 0 : i32
        %dma_start3A_528 = arith.constant 0 : i32
        %dma_start3A_529 = tpu.memref_slice %arg13[%dma_start3A_527, %dma_start3A_528] : memref<60x128xf32, #tpu.memory_space<vmem_shared>> -> memref<60x128xf32, #tpu.memory_space<vmem_shared>>
        tpu.enqueue_indirect_dma source(%dma_start3A_529 : memref<60x128xf32, #tpu.memory_space<vmem_shared>>) target(%arg11 : memref<128x128xf32, #tpu.memory_space<vmem>>) offsets(%dma_start3A_526 : memref<128xi32, #tpu.memory_space<vmem>>) semaphore(%arg14 : memref<!tpu.dma_semaphore, #tpu.memory_space<semaphore_mem>>)
        %dma_wait3A_530 = arith.constant 19 : i32
        %dma_wait3A_531 = arith.constant 0 : i32
        %dma_wait3A_532 = tpu.memref_slice %arg10[%dma_wait3A_530, %dma_wait3A_531] : memref<40x128xi32, #tpu.memory_space<vmem>> -> memref<1x128xi32, #tpu.memory_space<vmem>>
        %dma_wait3A_533 = tpu.memref_squeeze %dma_wait3A_532 : memref<1x128xi32, #tpu.memory_space<vmem>> -> memref<128xi32, #tpu.memory_space<vmem>>
        %dma_wait3A_534 = arith.constant 0 : i32
        %dma_wait3A_535 = arith.constant 0 : i32
        %dma_wait3A_536 = tpu.memref_slice %arg13[%dma_wait3A_534, %dma_wait3A_535] : memref<60x128xf32, #tpu.memory_space<vmem_shared>> -> memref<60x128xf32, #tpu.memory_space<vmem_shared>>
        tpu.wait_indirect_dma semaphore(%arg15 : memref<!tpu.dma_semaphore, #tpu.memory_space<semaphore_mem>>) src(%dma_wait3A_536 : memref<60x128xf32, #tpu.memory_space<vmem_shared>>) dst(%arg12 : memref<128x128xf32, #tpu.memory_space<vmem>>)
        %mul3A_537 = arith.constant 5120 : i32
        %mul3A_538 = arith.muli %add3A_11, %mul3A_537 : i32
        %add3A_539 = arith.constant 2432 : i32
        %add3A_540 = arith.addi %mul3A_538, %add3A_539 : i32
        %dma_start3A_541 = arith.constant 0 : i32
        %dma_start3A_542 = tpu.memref_slice %arg6[%add3A_540, %dma_start3A_541] : memref<640000x128xf32, #tpu.memory_space<hbm>> -> memref<128x128xf32, #tpu.memory_space<hbm>>
        %dma_start3A_543 = arith.constant 0 : i32
        %dma_start3A_544 = tpu.memref_slice %arg6[%add3A_540, %dma_start3A_543] : memref<640000x128xf32, #tpu.memory_space<hbm>> -> memref<128x128xf32, #tpu.memory_space<hbm>>
        tpu.enqueue_dma source(%arg12 : memref<128x128xf32, #tpu.memory_space<vmem>>) target(%dma_start3A_544 : memref<128x128xf32, #tpu.memory_space<hbm>>) target_semaphore(%arg17 : memref<!tpu.dma_semaphore, #tpu.memory_space<semaphore_mem>>)
        %dma_wait3A_545 = arith.constant 0 : i32
        %dma_wait3A_546 = tpu.memref_slice %arg6[%add3A_540, %dma_wait3A_545] : memref<640000x128xf32, #tpu.memory_space<hbm>> -> memref<128x128xf32, #tpu.memory_space<hbm>>
        %dma_wait3A_547 = arith.constant 0 : i32
        %dma_wait3A_548 = tpu.memref_slice %arg6[%add3A_540, %dma_wait3A_547] : memref<640000x128xf32, #tpu.memory_space<hbm>> -> memref<128x128xf32, #tpu.memory_space<hbm>>
        tpu.wait_dma2 semaphore(%arg17 : memref<!tpu.dma_semaphore, #tpu.memory_space<semaphore_mem>>) src(%arg12 : memref<128x128xf32, #tpu.memory_space<vmem>>) dst(%dma_wait3A_548 : memref<128x128xf32, #tpu.memory_space<hbm>>)
        %dma_start3A_549 = arith.constant 21 : i32
        %dma_start3A_550 = arith.constant 0 : i32
        %dma_start3A_551 = tpu.memref_slice %arg10[%dma_start3A_549, %dma_start3A_550] : memref<40x128xi32, #tpu.memory_space<vmem>> -> memref<1x128xi32, #tpu.memory_space<vmem>>
        %dma_start3A_552 = tpu.memref_squeeze %dma_start3A_551 : memref<1x128xi32, #tpu.memory_space<vmem>> -> memref<128xi32, #tpu.memory_space<vmem>>
        %dma_start3A_553 = arith.constant 0 : i32
        %dma_start3A_554 = arith.constant 0 : i32
        %dma_start3A_555 = tpu.memref_slice %arg13[%dma_start3A_553, %dma_start3A_554] : memref<60x128xf32, #tpu.memory_space<vmem_shared>> -> memref<60x128xf32, #tpu.memory_space<vmem_shared>>
        tpu.enqueue_indirect_dma source(%dma_start3A_555 : memref<60x128xf32, #tpu.memory_space<vmem_shared>>) target(%arg12 : memref<128x128xf32, #tpu.memory_space<vmem>>) offsets(%dma_start3A_552 : memref<128xi32, #tpu.memory_space<vmem>>) semaphore(%arg15 : memref<!tpu.dma_semaphore, #tpu.memory_space<semaphore_mem>>)
        %dma_wait3A_556 = arith.constant 20 : i32
        %dma_wait3A_557 = arith.constant 0 : i32
        %dma_wait3A_558 = tpu.memref_slice %arg10[%dma_wait3A_556, %dma_wait3A_557] : memref<40x128xi32, #tpu.memory_space<vmem>> -> memref<1x128xi32, #tpu.memory_space<vmem>>
        %dma_wait3A_559 = tpu.memref_squeeze %dma_wait3A_558 : memref<1x128xi32, #tpu.memory_space<vmem>> -> memref<128xi32, #tpu.memory_space<vmem>>
        %dma_wait3A_560 = arith.constant 0 : i32
        %dma_wait3A_561 = arith.constant 0 : i32
        %dma_wait3A_562 = tpu.memref_slice %arg13[%dma_wait3A_560, %dma_wait3A_561] : memref<60x128xf32, #tpu.memory_space<vmem_shared>> -> memref<60x128xf32, #tpu.memory_space<vmem_shared>>
        tpu.wait_indirect_dma semaphore(%arg14 : memref<!tpu.dma_semaphore, #tpu.memory_space<semaphore_mem>>) src(%dma_wait3A_562 : memref<60x128xf32, #tpu.memory_space<vmem_shared>>) dst(%arg11 : memref<128x128xf32, #tpu.memory_space<vmem>>)
        %mul3A_563 = arith.constant 5120 : i32
        %mul3A_564 = arith.muli %add3A_11, %mul3A_563 : i32
        %add3A_565 = arith.constant 2560 : i32
        %add3A_566 = arith.addi %mul3A_564, %add3A_565 : i32
        %dma_start3A_567 = arith.constant 0 : i32
        %dma_start3A_568 = tpu.memref_slice %arg6[%add3A_566, %dma_start3A_567] : memref<640000x128xf32, #tpu.memory_space<hbm>> -> memref<128x128xf32, #tpu.memory_space<hbm>>
        %dma_start3A_569 = arith.constant 0 : i32
        %dma_start3A_570 = tpu.memref_slice %arg6[%add3A_566, %dma_start3A_569] : memref<640000x128xf32, #tpu.memory_space<hbm>> -> memref<128x128xf32, #tpu.memory_space<hbm>>
        tpu.enqueue_dma source(%arg11 : memref<128x128xf32, #tpu.memory_space<vmem>>) target(%dma_start3A_570 : memref<128x128xf32, #tpu.memory_space<hbm>>) target_semaphore(%arg16 : memref<!tpu.dma_semaphore, #tpu.memory_space<semaphore_mem>>)
        %dma_wait3A_571 = arith.constant 0 : i32
        %dma_wait3A_572 = tpu.memref_slice %arg6[%add3A_566, %dma_wait3A_571] : memref<640000x128xf32, #tpu.memory_space<hbm>> -> memref<128x128xf32, #tpu.memory_space<hbm>>
        %dma_wait3A_573 = arith.constant 0 : i32
        %dma_wait3A_574 = tpu.memref_slice %arg6[%add3A_566, %dma_wait3A_573] : memref<640000x128xf32, #tpu.memory_space<hbm>> -> memref<128x128xf32, #tpu.memory_space<hbm>>
        tpu.wait_dma2 semaphore(%arg16 : memref<!tpu.dma_semaphore, #tpu.memory_space<semaphore_mem>>) src(%arg11 : memref<128x128xf32, #tpu.memory_space<vmem>>) dst(%dma_wait3A_574 : memref<128x128xf32, #tpu.memory_space<hbm>>)
        %dma_start3A_575 = arith.constant 22 : i32
        %dma_start3A_576 = arith.constant 0 : i32
        %dma_start3A_577 = tpu.memref_slice %arg10[%dma_start3A_575, %dma_start3A_576] : memref<40x128xi32, #tpu.memory_space<vmem>> -> memref<1x128xi32, #tpu.memory_space<vmem>>
        %dma_start3A_578 = tpu.memref_squeeze %dma_start3A_577 : memref<1x128xi32, #tpu.memory_space<vmem>> -> memref<128xi32, #tpu.memory_space<vmem>>
        %dma_start3A_579 = arith.constant 0 : i32
        %dma_start3A_580 = arith.constant 0 : i32
        %dma_start3A_581 = tpu.memref_slice %arg13[%dma_start3A_579, %dma_start3A_580] : memref<60x128xf32, #tpu.memory_space<vmem_shared>> -> memref<60x128xf32, #tpu.memory_space<vmem_shared>>
        tpu.enqueue_indirect_dma source(%dma_start3A_581 : memref<60x128xf32, #tpu.memory_space<vmem_shared>>) target(%arg11 : memref<128x128xf32, #tpu.memory_space<vmem>>) offsets(%dma_start3A_578 : memref<128xi32, #tpu.memory_space<vmem>>) semaphore(%arg14 : memref<!tpu.dma_semaphore, #tpu.memory_space<semaphore_mem>>)
        %dma_wait3A_582 = arith.constant 21 : i32
        %dma_wait3A_583 = arith.constant 0 : i32
        %dma_wait3A_584 = tpu.memref_slice %arg10[%dma_wait3A_582, %dma_wait3A_583] : memref<40x128xi32, #tpu.memory_space<vmem>> -> memref<1x128xi32, #tpu.memory_space<vmem>>
        %dma_wait3A_585 = tpu.memref_squeeze %dma_wait3A_584 : memref<1x128xi32, #tpu.memory_space<vmem>> -> memref<128xi32, #tpu.memory_space<vmem>>
        %dma_wait3A_586 = arith.constant 0 : i32
        %dma_wait3A_587 = arith.constant 0 : i32
        %dma_wait3A_588 = tpu.memref_slice %arg13[%dma_wait3A_586, %dma_wait3A_587] : memref<60x128xf32, #tpu.memory_space<vmem_shared>> -> memref<60x128xf32, #tpu.memory_space<vmem_shared>>
        tpu.wait_indirect_dma semaphore(%arg15 : memref<!tpu.dma_semaphore, #tpu.memory_space<semaphore_mem>>) src(%dma_wait3A_588 : memref<60x128xf32, #tpu.memory_space<vmem_shared>>) dst(%arg12 : memref<128x128xf32, #tpu.memory_space<vmem>>)
        %mul3A_589 = arith.constant 5120 : i32
        %mul3A_590 = arith.muli %add3A_11, %mul3A_589 : i32
        %add3A_591 = arith.constant 2688 : i32
        %add3A_592 = arith.addi %mul3A_590, %add3A_591 : i32
        %dma_start3A_593 = arith.constant 0 : i32
        %dma_start3A_594 = tpu.memref_slice %arg6[%add3A_592, %dma_start3A_593] : memref<640000x128xf32, #tpu.memory_space<hbm>> -> memref<128x128xf32, #tpu.memory_space<hbm>>
        %dma_start3A_595 = arith.constant 0 : i32
        %dma_start3A_596 = tpu.memref_slice %arg6[%add3A_592, %dma_start3A_595] : memref<640000x128xf32, #tpu.memory_space<hbm>> -> memref<128x128xf32, #tpu.memory_space<hbm>>
        tpu.enqueue_dma source(%arg12 : memref<128x128xf32, #tpu.memory_space<vmem>>) target(%dma_start3A_596 : memref<128x128xf32, #tpu.memory_space<hbm>>) target_semaphore(%arg17 : memref<!tpu.dma_semaphore, #tpu.memory_space<semaphore_mem>>)
        %dma_wait3A_597 = arith.constant 0 : i32
        %dma_wait3A_598 = tpu.memref_slice %arg6[%add3A_592, %dma_wait3A_597] : memref<640000x128xf32, #tpu.memory_space<hbm>> -> memref<128x128xf32, #tpu.memory_space<hbm>>
        %dma_wait3A_599 = arith.constant 0 : i32
        %dma_wait3A_600 = tpu.memref_slice %arg6[%add3A_592, %dma_wait3A_599] : memref<640000x128xf32, #tpu.memory_space<hbm>> -> memref<128x128xf32, #tpu.memory_space<hbm>>
        tpu.wait_dma2 semaphore(%arg17 : memref<!tpu.dma_semaphore, #tpu.memory_space<semaphore_mem>>) src(%arg12 : memref<128x128xf32, #tpu.memory_space<vmem>>) dst(%dma_wait3A_600 : memref<128x128xf32, #tpu.memory_space<hbm>>)
        %dma_start3A_601 = arith.constant 23 : i32
        %dma_start3A_602 = arith.constant 0 : i32
        %dma_start3A_603 = tpu.memref_slice %arg10[%dma_start3A_601, %dma_start3A_602] : memref<40x128xi32, #tpu.memory_space<vmem>> -> memref<1x128xi32, #tpu.memory_space<vmem>>
        %dma_start3A_604 = tpu.memref_squeeze %dma_start3A_603 : memref<1x128xi32, #tpu.memory_space<vmem>> -> memref<128xi32, #tpu.memory_space<vmem>>
        %dma_start3A_605 = arith.constant 0 : i32
        %dma_start3A_606 = arith.constant 0 : i32
        %dma_start3A_607 = tpu.memref_slice %arg13[%dma_start3A_605, %dma_start3A_606] : memref<60x128xf32, #tpu.memory_space<vmem_shared>> -> memref<60x128xf32, #tpu.memory_space<vmem_shared>>
        tpu.enqueue_indirect_dma source(%dma_start3A_607 : memref<60x128xf32, #tpu.memory_space<vmem_shared>>) target(%arg12 : memref<128x128xf32, #tpu.memory_space<vmem>>) offsets(%dma_start3A_604 : memref<128xi32, #tpu.memory_space<vmem>>) semaphore(%arg15 : memref<!tpu.dma_semaphore, #tpu.memory_space<semaphore_mem>>)
        %dma_wait3A_608 = arith.constant 22 : i32
        %dma_wait3A_609 = arith.constant 0 : i32
        %dma_wait3A_610 = tpu.memref_slice %arg10[%dma_wait3A_608, %dma_wait3A_609] : memref<40x128xi32, #tpu.memory_space<vmem>> -> memref<1x128xi32, #tpu.memory_space<vmem>>
        %dma_wait3A_611 = tpu.memref_squeeze %dma_wait3A_610 : memref<1x128xi32, #tpu.memory_space<vmem>> -> memref<128xi32, #tpu.memory_space<vmem>>
        %dma_wait3A_612 = arith.constant 0 : i32
        %dma_wait3A_613 = arith.constant 0 : i32
        %dma_wait3A_614 = tpu.memref_slice %arg13[%dma_wait3A_612, %dma_wait3A_613] : memref<60x128xf32, #tpu.memory_space<vmem_shared>> -> memref<60x128xf32, #tpu.memory_space<vmem_shared>>
        tpu.wait_indirect_dma semaphore(%arg14 : memref<!tpu.dma_semaphore, #tpu.memory_space<semaphore_mem>>) src(%dma_wait3A_614 : memref<60x128xf32, #tpu.memory_space<vmem_shared>>) dst(%arg11 : memref<128x128xf32, #tpu.memory_space<vmem>>)
        %mul3A_615 = arith.constant 5120 : i32
        %mul3A_616 = arith.muli %add3A_11, %mul3A_615 : i32
        %add3A_617 = arith.constant 2816 : i32
        %add3A_618 = arith.addi %mul3A_616, %add3A_617 : i32
        %dma_start3A_619 = arith.constant 0 : i32
        %dma_start3A_620 = tpu.memref_slice %arg6[%add3A_618, %dma_start3A_619] : memref<640000x128xf32, #tpu.memory_space<hbm>> -> memref<128x128xf32, #tpu.memory_space<hbm>>
        %dma_start3A_621 = arith.constant 0 : i32
        %dma_start3A_622 = tpu.memref_slice %arg6[%add3A_618, %dma_start3A_621] : memref<640000x128xf32, #tpu.memory_space<hbm>> -> memref<128x128xf32, #tpu.memory_space<hbm>>
        tpu.enqueue_dma source(%arg11 : memref<128x128xf32, #tpu.memory_space<vmem>>) target(%dma_start3A_622 : memref<128x128xf32, #tpu.memory_space<hbm>>) target_semaphore(%arg16 : memref<!tpu.dma_semaphore, #tpu.memory_space<semaphore_mem>>)
        %dma_wait3A_623 = arith.constant 0 : i32
        %dma_wait3A_624 = tpu.memref_slice %arg6[%add3A_618, %dma_wait3A_623] : memref<640000x128xf32, #tpu.memory_space<hbm>> -> memref<128x128xf32, #tpu.memory_space<hbm>>
        %dma_wait3A_625 = arith.constant 0 : i32
        %dma_wait3A_626 = tpu.memref_slice %arg6[%add3A_618, %dma_wait3A_625] : memref<640000x128xf32, #tpu.memory_space<hbm>> -> memref<128x128xf32, #tpu.memory_space<hbm>>
        tpu.wait_dma2 semaphore(%arg16 : memref<!tpu.dma_semaphore, #tpu.memory_space<semaphore_mem>>) src(%arg11 : memref<128x128xf32, #tpu.memory_space<vmem>>) dst(%dma_wait3A_626 : memref<128x128xf32, #tpu.memory_space<hbm>>)
        %dma_start3A_627 = arith.constant 24 : i32
        %dma_start3A_628 = arith.constant 0 : i32
        %dma_start3A_629 = tpu.memref_slice %arg10[%dma_start3A_627, %dma_start3A_628] : memref<40x128xi32, #tpu.memory_space<vmem>> -> memref<1x128xi32, #tpu.memory_space<vmem>>
        %dma_start3A_630 = tpu.memref_squeeze %dma_start3A_629 : memref<1x128xi32, #tpu.memory_space<vmem>> -> memref<128xi32, #tpu.memory_space<vmem>>
        %dma_start3A_631 = arith.constant 0 : i32
        %dma_start3A_632 = arith.constant 0 : i32
        %dma_start3A_633 = tpu.memref_slice %arg13[%dma_start3A_631, %dma_start3A_632] : memref<60x128xf32, #tpu.memory_space<vmem_shared>> -> memref<60x128xf32, #tpu.memory_space<vmem_shared>>
        tpu.enqueue_indirect_dma source(%dma_start3A_633 : memref<60x128xf32, #tpu.memory_space<vmem_shared>>) target(%arg11 : memref<128x128xf32, #tpu.memory_space<vmem>>) offsets(%dma_start3A_630 : memref<128xi32, #tpu.memory_space<vmem>>) semaphore(%arg14 : memref<!tpu.dma_semaphore, #tpu.memory_space<semaphore_mem>>)
        %dma_wait3A_634 = arith.constant 23 : i32
        %dma_wait3A_635 = arith.constant 0 : i32
        %dma_wait3A_636 = tpu.memref_slice %arg10[%dma_wait3A_634, %dma_wait3A_635] : memref<40x128xi32, #tpu.memory_space<vmem>> -> memref<1x128xi32, #tpu.memory_space<vmem>>
        %dma_wait3A_637 = tpu.memref_squeeze %dma_wait3A_636 : memref<1x128xi32, #tpu.memory_space<vmem>> -> memref<128xi32, #tpu.memory_space<vmem>>
        %dma_wait3A_638 = arith.constant 0 : i32
        %dma_wait3A_639 = arith.constant 0 : i32
        %dma_wait3A_640 = tpu.memref_slice %arg13[%dma_wait3A_638, %dma_wait3A_639] : memref<60x128xf32, #tpu.memory_space<vmem_shared>> -> memref<60x128xf32, #tpu.memory_space<vmem_shared>>
        tpu.wait_indirect_dma semaphore(%arg15 : memref<!tpu.dma_semaphore, #tpu.memory_space<semaphore_mem>>) src(%dma_wait3A_640 : memref<60x128xf32, #tpu.memory_space<vmem_shared>>) dst(%arg12 : memref<128x128xf32, #tpu.memory_space<vmem>>)
        %mul3A_641 = arith.constant 5120 : i32
        %mul3A_642 = arith.muli %add3A_11, %mul3A_641 : i32
        %add3A_643 = arith.constant 2944 : i32
        %add3A_644 = arith.addi %mul3A_642, %add3A_643 : i32
        %dma_start3A_645 = arith.constant 0 : i32
        %dma_start3A_646 = tpu.memref_slice %arg6[%add3A_644, %dma_start3A_645] : memref<640000x128xf32, #tpu.memory_space<hbm>> -> memref<128x128xf32, #tpu.memory_space<hbm>>
        %dma_start3A_647 = arith.constant 0 : i32
        %dma_start3A_648 = tpu.memref_slice %arg6[%add3A_644, %dma_start3A_647] : memref<640000x128xf32, #tpu.memory_space<hbm>> -> memref<128x128xf32, #tpu.memory_space<hbm>>
        tpu.enqueue_dma source(%arg12 : memref<128x128xf32, #tpu.memory_space<vmem>>) target(%dma_start3A_648 : memref<128x128xf32, #tpu.memory_space<hbm>>) target_semaphore(%arg17 : memref<!tpu.dma_semaphore, #tpu.memory_space<semaphore_mem>>)
        %dma_wait3A_649 = arith.constant 0 : i32
        %dma_wait3A_650 = tpu.memref_slice %arg6[%add3A_644, %dma_wait3A_649] : memref<640000x128xf32, #tpu.memory_space<hbm>> -> memref<128x128xf32, #tpu.memory_space<hbm>>
        %dma_wait3A_651 = arith.constant 0 : i32
        %dma_wait3A_652 = tpu.memref_slice %arg6[%add3A_644, %dma_wait3A_651] : memref<640000x128xf32, #tpu.memory_space<hbm>> -> memref<128x128xf32, #tpu.memory_space<hbm>>
        tpu.wait_dma2 semaphore(%arg17 : memref<!tpu.dma_semaphore, #tpu.memory_space<semaphore_mem>>) src(%arg12 : memref<128x128xf32, #tpu.memory_space<vmem>>) dst(%dma_wait3A_652 : memref<128x128xf32, #tpu.memory_space<hbm>>)
        %dma_start3A_653 = arith.constant 25 : i32
        %dma_start3A_654 = arith.constant 0 : i32
        %dma_start3A_655 = tpu.memref_slice %arg10[%dma_start3A_653, %dma_start3A_654] : memref<40x128xi32, #tpu.memory_space<vmem>> -> memref<1x128xi32, #tpu.memory_space<vmem>>
        %dma_start3A_656 = tpu.memref_squeeze %dma_start3A_655 : memref<1x128xi32, #tpu.memory_space<vmem>> -> memref<128xi32, #tpu.memory_space<vmem>>
        %dma_start3A_657 = arith.constant 0 : i32
        %dma_start3A_658 = arith.constant 0 : i32
        %dma_start3A_659 = tpu.memref_slice %arg13[%dma_start3A_657, %dma_start3A_658] : memref<60x128xf32, #tpu.memory_space<vmem_shared>> -> memref<60x128xf32, #tpu.memory_space<vmem_shared>>
        tpu.enqueue_indirect_dma source(%dma_start3A_659 : memref<60x128xf32, #tpu.memory_space<vmem_shared>>) target(%arg12 : memref<128x128xf32, #tpu.memory_space<vmem>>) offsets(%dma_start3A_656 : memref<128xi32, #tpu.memory_space<vmem>>) semaphore(%arg15 : memref<!tpu.dma_semaphore, #tpu.memory_space<semaphore_mem>>)
        %dma_wait3A_660 = arith.constant 24 : i32
        %dma_wait3A_661 = arith.constant 0 : i32
        %dma_wait3A_662 = tpu.memref_slice %arg10[%dma_wait3A_660, %dma_wait3A_661] : memref<40x128xi32, #tpu.memory_space<vmem>> -> memref<1x128xi32, #tpu.memory_space<vmem>>
        %dma_wait3A_663 = tpu.memref_squeeze %dma_wait3A_662 : memref<1x128xi32, #tpu.memory_space<vmem>> -> memref<128xi32, #tpu.memory_space<vmem>>
        %dma_wait3A_664 = arith.constant 0 : i32
        %dma_wait3A_665 = arith.constant 0 : i32
        %dma_wait3A_666 = tpu.memref_slice %arg13[%dma_wait3A_664, %dma_wait3A_665] : memref<60x128xf32, #tpu.memory_space<vmem_shared>> -> memref<60x128xf32, #tpu.memory_space<vmem_shared>>
        tpu.wait_indirect_dma semaphore(%arg14 : memref<!tpu.dma_semaphore, #tpu.memory_space<semaphore_mem>>) src(%dma_wait3A_666 : memref<60x128xf32, #tpu.memory_space<vmem_shared>>) dst(%arg11 : memref<128x128xf32, #tpu.memory_space<vmem>>)
        %mul3A_667 = arith.constant 5120 : i32
        %mul3A_668 = arith.muli %add3A_11, %mul3A_667 : i32
        %add3A_669 = arith.constant 3072 : i32
        %add3A_670 = arith.addi %mul3A_668, %add3A_669 : i32
        %dma_start3A_671 = arith.constant 0 : i32
        %dma_start3A_672 = tpu.memref_slice %arg6[%add3A_670, %dma_start3A_671] : memref<640000x128xf32, #tpu.memory_space<hbm>> -> memref<128x128xf32, #tpu.memory_space<hbm>>
        %dma_start3A_673 = arith.constant 0 : i32
        %dma_start3A_674 = tpu.memref_slice %arg6[%add3A_670, %dma_start3A_673] : memref<640000x128xf32, #tpu.memory_space<hbm>> -> memref<128x128xf32, #tpu.memory_space<hbm>>
        tpu.enqueue_dma source(%arg11 : memref<128x128xf32, #tpu.memory_space<vmem>>) target(%dma_start3A_674 : memref<128x128xf32, #tpu.memory_space<hbm>>) target_semaphore(%arg16 : memref<!tpu.dma_semaphore, #tpu.memory_space<semaphore_mem>>)
        %dma_wait3A_675 = arith.constant 0 : i32
        %dma_wait3A_676 = tpu.memref_slice %arg6[%add3A_670, %dma_wait3A_675] : memref<640000x128xf32, #tpu.memory_space<hbm>> -> memref<128x128xf32, #tpu.memory_space<hbm>>
        %dma_wait3A_677 = arith.constant 0 : i32
        %dma_wait3A_678 = tpu.memref_slice %arg6[%add3A_670, %dma_wait3A_677] : memref<640000x128xf32, #tpu.memory_space<hbm>> -> memref<128x128xf32, #tpu.memory_space<hbm>>
        tpu.wait_dma2 semaphore(%arg16 : memref<!tpu.dma_semaphore, #tpu.memory_space<semaphore_mem>>) src(%arg11 : memref<128x128xf32, #tpu.memory_space<vmem>>) dst(%dma_wait3A_678 : memref<128x128xf32, #tpu.memory_space<hbm>>)
        %dma_start3A_679 = arith.constant 26 : i32
        %dma_start3A_680 = arith.constant 0 : i32
        %dma_start3A_681 = tpu.memref_slice %arg10[%dma_start3A_679, %dma_start3A_680] : memref<40x128xi32, #tpu.memory_space<vmem>> -> memref<1x128xi32, #tpu.memory_space<vmem>>
        %dma_start3A_682 = tpu.memref_squeeze %dma_start3A_681 : memref<1x128xi32, #tpu.memory_space<vmem>> -> memref<128xi32, #tpu.memory_space<vmem>>
        %dma_start3A_683 = arith.constant 0 : i32
        %dma_start3A_684 = arith.constant 0 : i32
        %dma_start3A_685 = tpu.memref_slice %arg13[%dma_start3A_683, %dma_start3A_684] : memref<60x128xf32, #tpu.memory_space<vmem_shared>> -> memref<60x128xf32, #tpu.memory_space<vmem_shared>>
        tpu.enqueue_indirect_dma source(%dma_start3A_685 : memref<60x128xf32, #tpu.memory_space<vmem_shared>>) target(%arg11 : memref<128x128xf32, #tpu.memory_space<vmem>>) offsets(%dma_start3A_682 : memref<128xi32, #tpu.memory_space<vmem>>) semaphore(%arg14 : memref<!tpu.dma_semaphore, #tpu.memory_space<semaphore_mem>>)
        %dma_wait3A_686 = arith.constant 25 : i32
        %dma_wait3A_687 = arith.constant 0 : i32
        %dma_wait3A_688 = tpu.memref_slice %arg10[%dma_wait3A_686, %dma_wait3A_687] : memref<40x128xi32, #tpu.memory_space<vmem>> -> memref<1x128xi32, #tpu.memory_space<vmem>>
        %dma_wait3A_689 = tpu.memref_squeeze %dma_wait3A_688 : memref<1x128xi32, #tpu.memory_space<vmem>> -> memref<128xi32, #tpu.memory_space<vmem>>
        %dma_wait3A_690 = arith.constant 0 : i32
        %dma_wait3A_691 = arith.constant 0 : i32
        %dma_wait3A_692 = tpu.memref_slice %arg13[%dma_wait3A_690, %dma_wait3A_691] : memref<60x128xf32, #tpu.memory_space<vmem_shared>> -> memref<60x128xf32, #tpu.memory_space<vmem_shared>>
        tpu.wait_indirect_dma semaphore(%arg15 : memref<!tpu.dma_semaphore, #tpu.memory_space<semaphore_mem>>) src(%dma_wait3A_692 : memref<60x128xf32, #tpu.memory_space<vmem_shared>>) dst(%arg12 : memref<128x128xf32, #tpu.memory_space<vmem>>)
        %mul3A_693 = arith.constant 5120 : i32
        %mul3A_694 = arith.muli %add3A_11, %mul3A_693 : i32
        %add3A_695 = arith.constant 3200 : i32
        %add3A_696 = arith.addi %mul3A_694, %add3A_695 : i32
        %dma_start3A_697 = arith.constant 0 : i32
        %dma_start3A_698 = tpu.memref_slice %arg6[%add3A_696, %dma_start3A_697] : memref<640000x128xf32, #tpu.memory_space<hbm>> -> memref<128x128xf32, #tpu.memory_space<hbm>>
        %dma_start3A_699 = arith.constant 0 : i32
        %dma_start3A_700 = tpu.memref_slice %arg6[%add3A_696, %dma_start3A_699] : memref<640000x128xf32, #tpu.memory_space<hbm>> -> memref<128x128xf32, #tpu.memory_space<hbm>>
        tpu.enqueue_dma source(%arg12 : memref<128x128xf32, #tpu.memory_space<vmem>>) target(%dma_start3A_700 : memref<128x128xf32, #tpu.memory_space<hbm>>) target_semaphore(%arg17 : memref<!tpu.dma_semaphore, #tpu.memory_space<semaphore_mem>>)
        %dma_wait3A_701 = arith.constant 0 : i32
        %dma_wait3A_702 = tpu.memref_slice %arg6[%add3A_696, %dma_wait3A_701] : memref<640000x128xf32, #tpu.memory_space<hbm>> -> memref<128x128xf32, #tpu.memory_space<hbm>>
        %dma_wait3A_703 = arith.constant 0 : i32
        %dma_wait3A_704 = tpu.memref_slice %arg6[%add3A_696, %dma_wait3A_703] : memref<640000x128xf32, #tpu.memory_space<hbm>> -> memref<128x128xf32, #tpu.memory_space<hbm>>
        tpu.wait_dma2 semaphore(%arg17 : memref<!tpu.dma_semaphore, #tpu.memory_space<semaphore_mem>>) src(%arg12 : memref<128x128xf32, #tpu.memory_space<vmem>>) dst(%dma_wait3A_704 : memref<128x128xf32, #tpu.memory_space<hbm>>)
        %dma_start3A_705 = arith.constant 27 : i32
        %dma_start3A_706 = arith.constant 0 : i32
        %dma_start3A_707 = tpu.memref_slice %arg10[%dma_start3A_705, %dma_start3A_706] : memref<40x128xi32, #tpu.memory_space<vmem>> -> memref<1x128xi32, #tpu.memory_space<vmem>>
        %dma_start3A_708 = tpu.memref_squeeze %dma_start3A_707 : memref<1x128xi32, #tpu.memory_space<vmem>> -> memref<128xi32, #tpu.memory_space<vmem>>
        %dma_start3A_709 = arith.constant 0 : i32
        %dma_start3A_710 = arith.constant 0 : i32
        %dma_start3A_711 = tpu.memref_slice %arg13[%dma_start3A_709, %dma_start3A_710] : memref<60x128xf32, #tpu.memory_space<vmem_shared>> -> memref<60x128xf32, #tpu.memory_space<vmem_shared>>
        tpu.enqueue_indirect_dma source(%dma_start3A_711 : memref<60x128xf32, #tpu.memory_space<vmem_shared>>) target(%arg12 : memref<128x128xf32, #tpu.memory_space<vmem>>) offsets(%dma_start3A_708 : memref<128xi32, #tpu.memory_space<vmem>>) semaphore(%arg15 : memref<!tpu.dma_semaphore, #tpu.memory_space<semaphore_mem>>)
        %dma_wait3A_712 = arith.constant 26 : i32
        %dma_wait3A_713 = arith.constant 0 : i32
        %dma_wait3A_714 = tpu.memref_slice %arg10[%dma_wait3A_712, %dma_wait3A_713] : memref<40x128xi32, #tpu.memory_space<vmem>> -> memref<1x128xi32, #tpu.memory_space<vmem>>
        %dma_wait3A_715 = tpu.memref_squeeze %dma_wait3A_714 : memref<1x128xi32, #tpu.memory_space<vmem>> -> memref<128xi32, #tpu.memory_space<vmem>>
        %dma_wait3A_716 = arith.constant 0 : i32
        %dma_wait3A_717 = arith.constant 0 : i32
        %dma_wait3A_718 = tpu.memref_slice %arg13[%dma_wait3A_716, %dma_wait3A_717] : memref<60x128xf32, #tpu.memory_space<vmem_shared>> -> memref<60x128xf32, #tpu.memory_space<vmem_shared>>
        tpu.wait_indirect_dma semaphore(%arg14 : memref<!tpu.dma_semaphore, #tpu.memory_space<semaphore_mem>>) src(%dma_wait3A_718 : memref<60x128xf32, #tpu.memory_space<vmem_shared>>) dst(%arg11 : memref<128x128xf32, #tpu.memory_space<vmem>>)
        %mul3A_719 = arith.constant 5120 : i32
        %mul3A_720 = arith.muli %add3A_11, %mul3A_719 : i32
        %add3A_721 = arith.constant 3328 : i32
        %add3A_722 = arith.addi %mul3A_720, %add3A_721 : i32
        %dma_start3A_723 = arith.constant 0 : i32
        %dma_start3A_724 = tpu.memref_slice %arg6[%add3A_722, %dma_start3A_723] : memref<640000x128xf32, #tpu.memory_space<hbm>> -> memref<128x128xf32, #tpu.memory_space<hbm>>
        %dma_start3A_725 = arith.constant 0 : i32
        %dma_start3A_726 = tpu.memref_slice %arg6[%add3A_722, %dma_start3A_725] : memref<640000x128xf32, #tpu.memory_space<hbm>> -> memref<128x128xf32, #tpu.memory_space<hbm>>
        tpu.enqueue_dma source(%arg11 : memref<128x128xf32, #tpu.memory_space<vmem>>) target(%dma_start3A_726 : memref<128x128xf32, #tpu.memory_space<hbm>>) target_semaphore(%arg16 : memref<!tpu.dma_semaphore, #tpu.memory_space<semaphore_mem>>)
        %dma_wait3A_727 = arith.constant 0 : i32
        %dma_wait3A_728 = tpu.memref_slice %arg6[%add3A_722, %dma_wait3A_727] : memref<640000x128xf32, #tpu.memory_space<hbm>> -> memref<128x128xf32, #tpu.memory_space<hbm>>
        %dma_wait3A_729 = arith.constant 0 : i32
        %dma_wait3A_730 = tpu.memref_slice %arg6[%add3A_722, %dma_wait3A_729] : memref<640000x128xf32, #tpu.memory_space<hbm>> -> memref<128x128xf32, #tpu.memory_space<hbm>>
        tpu.wait_dma2 semaphore(%arg16 : memref<!tpu.dma_semaphore, #tpu.memory_space<semaphore_mem>>) src(%arg11 : memref<128x128xf32, #tpu.memory_space<vmem>>) dst(%dma_wait3A_730 : memref<128x128xf32, #tpu.memory_space<hbm>>)
        %dma_start3A_731 = arith.constant 28 : i32
        %dma_start3A_732 = arith.constant 0 : i32
        %dma_start3A_733 = tpu.memref_slice %arg10[%dma_start3A_731, %dma_start3A_732] : memref<40x128xi32, #tpu.memory_space<vmem>> -> memref<1x128xi32, #tpu.memory_space<vmem>>
        %dma_start3A_734 = tpu.memref_squeeze %dma_start3A_733 : memref<1x128xi32, #tpu.memory_space<vmem>> -> memref<128xi32, #tpu.memory_space<vmem>>
        %dma_start3A_735 = arith.constant 0 : i32
        %dma_start3A_736 = arith.constant 0 : i32
        %dma_start3A_737 = tpu.memref_slice %arg13[%dma_start3A_735, %dma_start3A_736] : memref<60x128xf32, #tpu.memory_space<vmem_shared>> -> memref<60x128xf32, #tpu.memory_space<vmem_shared>>
        tpu.enqueue_indirect_dma source(%dma_start3A_737 : memref<60x128xf32, #tpu.memory_space<vmem_shared>>) target(%arg11 : memref<128x128xf32, #tpu.memory_space<vmem>>) offsets(%dma_start3A_734 : memref<128xi32, #tpu.memory_space<vmem>>) semaphore(%arg14 : memref<!tpu.dma_semaphore, #tpu.memory_space<semaphore_mem>>)
        %dma_wait3A_738 = arith.constant 27 : i32
        %dma_wait3A_739 = arith.constant 0 : i32
        %dma_wait3A_740 = tpu.memref_slice %arg10[%dma_wait3A_738, %dma_wait3A_739] : memref<40x128xi32, #tpu.memory_space<vmem>> -> memref<1x128xi32, #tpu.memory_space<vmem>>
        %dma_wait3A_741 = tpu.memref_squeeze %dma_wait3A_740 : memref<1x128xi32, #tpu.memory_space<vmem>> -> memref<128xi32, #tpu.memory_space<vmem>>
        %dma_wait3A_742 = arith.constant 0 : i32
        %dma_wait3A_743 = arith.constant 0 : i32
        %dma_wait3A_744 = tpu.memref_slice %arg13[%dma_wait3A_742, %dma_wait3A_743] : memref<60x128xf32, #tpu.memory_space<vmem_shared>> -> memref<60x128xf32, #tpu.memory_space<vmem_shared>>
        tpu.wait_indirect_dma semaphore(%arg15 : memref<!tpu.dma_semaphore, #tpu.memory_space<semaphore_mem>>) src(%dma_wait3A_744 : memref<60x128xf32, #tpu.memory_space<vmem_shared>>) dst(%arg12 : memref<128x128xf32, #tpu.memory_space<vmem>>)
        %mul3A_745 = arith.constant 5120 : i32
        %mul3A_746 = arith.muli %add3A_11, %mul3A_745 : i32
        %add3A_747 = arith.constant 3456 : i32
        %add3A_748 = arith.addi %mul3A_746, %add3A_747 : i32
        %dma_start3A_749 = arith.constant 0 : i32
        %dma_start3A_750 = tpu.memref_slice %arg6[%add3A_748, %dma_start3A_749] : memref<640000x128xf32, #tpu.memory_space<hbm>> -> memref<128x128xf32, #tpu.memory_space<hbm>>
        %dma_start3A_751 = arith.constant 0 : i32
        %dma_start3A_752 = tpu.memref_slice %arg6[%add3A_748, %dma_start3A_751] : memref<640000x128xf32, #tpu.memory_space<hbm>> -> memref<128x128xf32, #tpu.memory_space<hbm>>
        tpu.enqueue_dma source(%arg12 : memref<128x128xf32, #tpu.memory_space<vmem>>) target(%dma_start3A_752 : memref<128x128xf32, #tpu.memory_space<hbm>>) target_semaphore(%arg17 : memref<!tpu.dma_semaphore, #tpu.memory_space<semaphore_mem>>)
        %dma_wait3A_753 = arith.constant 0 : i32
        %dma_wait3A_754 = tpu.memref_slice %arg6[%add3A_748, %dma_wait3A_753] : memref<640000x128xf32, #tpu.memory_space<hbm>> -> memref<128x128xf32, #tpu.memory_space<hbm>>
        %dma_wait3A_755 = arith.constant 0 : i32
        %dma_wait3A_756 = tpu.memref_slice %arg6[%add3A_748, %dma_wait3A_755] : memref<640000x128xf32, #tpu.memory_space<hbm>> -> memref<128x128xf32, #tpu.memory_space<hbm>>
        tpu.wait_dma2 semaphore(%arg17 : memref<!tpu.dma_semaphore, #tpu.memory_space<semaphore_mem>>) src(%arg12 : memref<128x128xf32, #tpu.memory_space<vmem>>) dst(%dma_wait3A_756 : memref<128x128xf32, #tpu.memory_space<hbm>>)
        %dma_start3A_757 = arith.constant 29 : i32
        %dma_start3A_758 = arith.constant 0 : i32
        %dma_start3A_759 = tpu.memref_slice %arg10[%dma_start3A_757, %dma_start3A_758] : memref<40x128xi32, #tpu.memory_space<vmem>> -> memref<1x128xi32, #tpu.memory_space<vmem>>
        %dma_start3A_760 = tpu.memref_squeeze %dma_start3A_759 : memref<1x128xi32, #tpu.memory_space<vmem>> -> memref<128xi32, #tpu.memory_space<vmem>>
        %dma_start3A_761 = arith.constant 0 : i32
        %dma_start3A_762 = arith.constant 0 : i32
        %dma_start3A_763 = tpu.memref_slice %arg13[%dma_start3A_761, %dma_start3A_762] : memref<60x128xf32, #tpu.memory_space<vmem_shared>> -> memref<60x128xf32, #tpu.memory_space<vmem_shared>>
        tpu.enqueue_indirect_dma source(%dma_start3A_763 : memref<60x128xf32, #tpu.memory_space<vmem_shared>>) target(%arg12 : memref<128x128xf32, #tpu.memory_space<vmem>>) offsets(%dma_start3A_760 : memref<128xi32, #tpu.memory_space<vmem>>) semaphore(%arg15 : memref<!tpu.dma_semaphore, #tpu.memory_space<semaphore_mem>>)
        %dma_wait3A_764 = arith.constant 28 : i32
        %dma_wait3A_765 = arith.constant 0 : i32
        %dma_wait3A_766 = tpu.memref_slice %arg10[%dma_wait3A_764, %dma_wait3A_765] : memref<40x128xi32, #tpu.memory_space<vmem>> -> memref<1x128xi32, #tpu.memory_space<vmem>>
        %dma_wait3A_767 = tpu.memref_squeeze %dma_wait3A_766 : memref<1x128xi32, #tpu.memory_space<vmem>> -> memref<128xi32, #tpu.memory_space<vmem>>
        %dma_wait3A_768 = arith.constant 0 : i32
        %dma_wait3A_769 = arith.constant 0 : i32
        %dma_wait3A_770 = tpu.memref_slice %arg13[%dma_wait3A_768, %dma_wait3A_769] : memref<60x128xf32, #tpu.memory_space<vmem_shared>> -> memref<60x128xf32, #tpu.memory_space<vmem_shared>>
        tpu.wait_indirect_dma semaphore(%arg14 : memref<!tpu.dma_semaphore, #tpu.memory_space<semaphore_mem>>) src(%dma_wait3A_770 : memref<60x128xf32, #tpu.memory_space<vmem_shared>>) dst(%arg11 : memref<128x128xf32, #tpu.memory_space<vmem>>)
        %mul3A_771 = arith.constant 5120 : i32
        %mul3A_772 = arith.muli %add3A_11, %mul3A_771 : i32
        %add3A_773 = arith.constant 3584 : i32
        %add3A_774 = arith.addi %mul3A_772, %add3A_773 : i32
        %dma_start3A_775 = arith.constant 0 : i32
        %dma_start3A_776 = tpu.memref_slice %arg6[%add3A_774, %dma_start3A_775] : memref<640000x128xf32, #tpu.memory_space<hbm>> -> memref<128x128xf32, #tpu.memory_space<hbm>>
        %dma_start3A_777 = arith.constant 0 : i32
        %dma_start3A_778 = tpu.memref_slice %arg6[%add3A_774, %dma_start3A_777] : memref<640000x128xf32, #tpu.memory_space<hbm>> -> memref<128x128xf32, #tpu.memory_space<hbm>>
        tpu.enqueue_dma source(%arg11 : memref<128x128xf32, #tpu.memory_space<vmem>>) target(%dma_start3A_778 : memref<128x128xf32, #tpu.memory_space<hbm>>) target_semaphore(%arg16 : memref<!tpu.dma_semaphore, #tpu.memory_space<semaphore_mem>>)
        %dma_wait3A_779 = arith.constant 0 : i32
        %dma_wait3A_780 = tpu.memref_slice %arg6[%add3A_774, %dma_wait3A_779] : memref<640000x128xf32, #tpu.memory_space<hbm>> -> memref<128x128xf32, #tpu.memory_space<hbm>>
        %dma_wait3A_781 = arith.constant 0 : i32
        %dma_wait3A_782 = tpu.memref_slice %arg6[%add3A_774, %dma_wait3A_781] : memref<640000x128xf32, #tpu.memory_space<hbm>> -> memref<128x128xf32, #tpu.memory_space<hbm>>
        tpu.wait_dma2 semaphore(%arg16 : memref<!tpu.dma_semaphore, #tpu.memory_space<semaphore_mem>>) src(%arg11 : memref<128x128xf32, #tpu.memory_space<vmem>>) dst(%dma_wait3A_782 : memref<128x128xf32, #tpu.memory_space<hbm>>)
        %dma_start3A_783 = arith.constant 30 : i32
        %dma_start3A_784 = arith.constant 0 : i32
        %dma_start3A_785 = tpu.memref_slice %arg10[%dma_start3A_783, %dma_start3A_784] : memref<40x128xi32, #tpu.memory_space<vmem>> -> memref<1x128xi32, #tpu.memory_space<vmem>>
        %dma_start3A_786 = tpu.memref_squeeze %dma_start3A_785 : memref<1x128xi32, #tpu.memory_space<vmem>> -> memref<128xi32, #tpu.memory_space<vmem>>
        %dma_start3A_787 = arith.constant 0 : i32
        %dma_start3A_788 = arith.constant 0 : i32
        %dma_start3A_789 = tpu.memref_slice %arg13[%dma_start3A_787, %dma_start3A_788] : memref<60x128xf32, #tpu.memory_space<vmem_shared>> -> memref<60x128xf32, #tpu.memory_space<vmem_shared>>
        tpu.enqueue_indirect_dma source(%dma_start3A_789 : memref<60x128xf32, #tpu.memory_space<vmem_shared>>) target(%arg11 : memref<128x128xf32, #tpu.memory_space<vmem>>) offsets(%dma_start3A_786 : memref<128xi32, #tpu.memory_space<vmem>>) semaphore(%arg14 : memref<!tpu.dma_semaphore, #tpu.memory_space<semaphore_mem>>)
        %dma_wait3A_790 = arith.constant 29 : i32
        %dma_wait3A_791 = arith.constant 0 : i32
        %dma_wait3A_792 = tpu.memref_slice %arg10[%dma_wait3A_790, %dma_wait3A_791] : memref<40x128xi32, #tpu.memory_space<vmem>> -> memref<1x128xi32, #tpu.memory_space<vmem>>
        %dma_wait3A_793 = tpu.memref_squeeze %dma_wait3A_792 : memref<1x128xi32, #tpu.memory_space<vmem>> -> memref<128xi32, #tpu.memory_space<vmem>>
        %dma_wait3A_794 = arith.constant 0 : i32
        %dma_wait3A_795 = arith.constant 0 : i32
        %dma_wait3A_796 = tpu.memref_slice %arg13[%dma_wait3A_794, %dma_wait3A_795] : memref<60x128xf32, #tpu.memory_space<vmem_shared>> -> memref<60x128xf32, #tpu.memory_space<vmem_shared>>
        tpu.wait_indirect_dma semaphore(%arg15 : memref<!tpu.dma_semaphore, #tpu.memory_space<semaphore_mem>>) src(%dma_wait3A_796 : memref<60x128xf32, #tpu.memory_space<vmem_shared>>) dst(%arg12 : memref<128x128xf32, #tpu.memory_space<vmem>>)
        %mul3A_797 = arith.constant 5120 : i32
        %mul3A_798 = arith.muli %add3A_11, %mul3A_797 : i32
        %add3A_799 = arith.constant 3712 : i32
        %add3A_800 = arith.addi %mul3A_798, %add3A_799 : i32
        %dma_start3A_801 = arith.constant 0 : i32
        %dma_start3A_802 = tpu.memref_slice %arg6[%add3A_800, %dma_start3A_801] : memref<640000x128xf32, #tpu.memory_space<hbm>> -> memref<128x128xf32, #tpu.memory_space<hbm>>
        %dma_start3A_803 = arith.constant 0 : i32
        %dma_start3A_804 = tpu.memref_slice %arg6[%add3A_800, %dma_start3A_803] : memref<640000x128xf32, #tpu.memory_space<hbm>> -> memref<128x128xf32, #tpu.memory_space<hbm>>
        tpu.enqueue_dma source(%arg12 : memref<128x128xf32, #tpu.memory_space<vmem>>) target(%dma_start3A_804 : memref<128x128xf32, #tpu.memory_space<hbm>>) target_semaphore(%arg17 : memref<!tpu.dma_semaphore, #tpu.memory_space<semaphore_mem>>)
        %dma_wait3A_805 = arith.constant 0 : i32
        %dma_wait3A_806 = tpu.memref_slice %arg6[%add3A_800, %dma_wait3A_805] : memref<640000x128xf32, #tpu.memory_space<hbm>> -> memref<128x128xf32, #tpu.memory_space<hbm>>
        %dma_wait3A_807 = arith.constant 0 : i32
        %dma_wait3A_808 = tpu.memref_slice %arg6[%add3A_800, %dma_wait3A_807] : memref<640000x128xf32, #tpu.memory_space<hbm>> -> memref<128x128xf32, #tpu.memory_space<hbm>>
        tpu.wait_dma2 semaphore(%arg17 : memref<!tpu.dma_semaphore, #tpu.memory_space<semaphore_mem>>) src(%arg12 : memref<128x128xf32, #tpu.memory_space<vmem>>) dst(%dma_wait3A_808 : memref<128x128xf32, #tpu.memory_space<hbm>>)
        %dma_start3A_809 = arith.constant 31 : i32
        %dma_start3A_810 = arith.constant 0 : i32
        %dma_start3A_811 = tpu.memref_slice %arg10[%dma_start3A_809, %dma_start3A_810] : memref<40x128xi32, #tpu.memory_space<vmem>> -> memref<1x128xi32, #tpu.memory_space<vmem>>
        %dma_start3A_812 = tpu.memref_squeeze %dma_start3A_811 : memref<1x128xi32, #tpu.memory_space<vmem>> -> memref<128xi32, #tpu.memory_space<vmem>>
        %dma_start3A_813 = arith.constant 0 : i32
        %dma_start3A_814 = arith.constant 0 : i32
        %dma_start3A_815 = tpu.memref_slice %arg13[%dma_start3A_813, %dma_start3A_814] : memref<60x128xf32, #tpu.memory_space<vmem_shared>> -> memref<60x128xf32, #tpu.memory_space<vmem_shared>>
        tpu.enqueue_indirect_dma source(%dma_start3A_815 : memref<60x128xf32, #tpu.memory_space<vmem_shared>>) target(%arg12 : memref<128x128xf32, #tpu.memory_space<vmem>>) offsets(%dma_start3A_812 : memref<128xi32, #tpu.memory_space<vmem>>) semaphore(%arg15 : memref<!tpu.dma_semaphore, #tpu.memory_space<semaphore_mem>>)
        %dma_wait3A_816 = arith.constant 30 : i32
        %dma_wait3A_817 = arith.constant 0 : i32
        %dma_wait3A_818 = tpu.memref_slice %arg10[%dma_wait3A_816, %dma_wait3A_817] : memref<40x128xi32, #tpu.memory_space<vmem>> -> memref<1x128xi32, #tpu.memory_space<vmem>>
        %dma_wait3A_819 = tpu.memref_squeeze %dma_wait3A_818 : memref<1x128xi32, #tpu.memory_space<vmem>> -> memref<128xi32, #tpu.memory_space<vmem>>
        %dma_wait3A_820 = arith.constant 0 : i32
        %dma_wait3A_821 = arith.constant 0 : i32
        %dma_wait3A_822 = tpu.memref_slice %arg13[%dma_wait3A_820, %dma_wait3A_821] : memref<60x128xf32, #tpu.memory_space<vmem_shared>> -> memref<60x128xf32, #tpu.memory_space<vmem_shared>>
        tpu.wait_indirect_dma semaphore(%arg14 : memref<!tpu.dma_semaphore, #tpu.memory_space<semaphore_mem>>) src(%dma_wait3A_822 : memref<60x128xf32, #tpu.memory_space<vmem_shared>>) dst(%arg11 : memref<128x128xf32, #tpu.memory_space<vmem>>)
        %mul3A_823 = arith.constant 5120 : i32
        %mul3A_824 = arith.muli %add3A_11, %mul3A_823 : i32
        %add3A_825 = arith.constant 3840 : i32
        %add3A_826 = arith.addi %mul3A_824, %add3A_825 : i32
        %dma_start3A_827 = arith.constant 0 : i32
        %dma_start3A_828 = tpu.memref_slice %arg6[%add3A_826, %dma_start3A_827] : memref<640000x128xf32, #tpu.memory_space<hbm>> -> memref<128x128xf32, #tpu.memory_space<hbm>>
        %dma_start3A_829 = arith.constant 0 : i32
        %dma_start3A_830 = tpu.memref_slice %arg6[%add3A_826, %dma_start3A_829] : memref<640000x128xf32, #tpu.memory_space<hbm>> -> memref<128x128xf32, #tpu.memory_space<hbm>>
        tpu.enqueue_dma source(%arg11 : memref<128x128xf32, #tpu.memory_space<vmem>>) target(%dma_start3A_830 : memref<128x128xf32, #tpu.memory_space<hbm>>) target_semaphore(%arg16 : memref<!tpu.dma_semaphore, #tpu.memory_space<semaphore_mem>>)
        %dma_wait3A_831 = arith.constant 0 : i32
        %dma_wait3A_832 = tpu.memref_slice %arg6[%add3A_826, %dma_wait3A_831] : memref<640000x128xf32, #tpu.memory_space<hbm>> -> memref<128x128xf32, #tpu.memory_space<hbm>>
        %dma_wait3A_833 = arith.constant 0 : i32
        %dma_wait3A_834 = tpu.memref_slice %arg6[%add3A_826, %dma_wait3A_833] : memref<640000x128xf32, #tpu.memory_space<hbm>> -> memref<128x128xf32, #tpu.memory_space<hbm>>
        tpu.wait_dma2 semaphore(%arg16 : memref<!tpu.dma_semaphore, #tpu.memory_space<semaphore_mem>>) src(%arg11 : memref<128x128xf32, #tpu.memory_space<vmem>>) dst(%dma_wait3A_834 : memref<128x128xf32, #tpu.memory_space<hbm>>)
        %dma_start3A_835 = arith.constant 32 : i32
        %dma_start3A_836 = arith.constant 0 : i32
        %dma_start3A_837 = tpu.memref_slice %arg10[%dma_start3A_835, %dma_start3A_836] : memref<40x128xi32, #tpu.memory_space<vmem>> -> memref<1x128xi32, #tpu.memory_space<vmem>>
        %dma_start3A_838 = tpu.memref_squeeze %dma_start3A_837 : memref<1x128xi32, #tpu.memory_space<vmem>> -> memref<128xi32, #tpu.memory_space<vmem>>
        %dma_start3A_839 = arith.constant 0 : i32
        %dma_start3A_840 = arith.constant 0 : i32
        %dma_start3A_841 = tpu.memref_slice %arg13[%dma_start3A_839, %dma_start3A_840] : memref<60x128xf32, #tpu.memory_space<vmem_shared>> -> memref<60x128xf32, #tpu.memory_space<vmem_shared>>
        tpu.enqueue_indirect_dma source(%dma_start3A_841 : memref<60x128xf32, #tpu.memory_space<vmem_shared>>) target(%arg11 : memref<128x128xf32, #tpu.memory_space<vmem>>) offsets(%dma_start3A_838 : memref<128xi32, #tpu.memory_space<vmem>>) semaphore(%arg14 : memref<!tpu.dma_semaphore, #tpu.memory_space<semaphore_mem>>)
        %dma_wait3A_842 = arith.constant 31 : i32
        %dma_wait3A_843 = arith.constant 0 : i32
        %dma_wait3A_844 = tpu.memref_slice %arg10[%dma_wait3A_842, %dma_wait3A_843] : memref<40x128xi32, #tpu.memory_space<vmem>> -> memref<1x128xi32, #tpu.memory_space<vmem>>
        %dma_wait3A_845 = tpu.memref_squeeze %dma_wait3A_844 : memref<1x128xi32, #tpu.memory_space<vmem>> -> memref<128xi32, #tpu.memory_space<vmem>>
        %dma_wait3A_846 = arith.constant 0 : i32
        %dma_wait3A_847 = arith.constant 0 : i32
        %dma_wait3A_848 = tpu.memref_slice %arg13[%dma_wait3A_846, %dma_wait3A_847] : memref<60x128xf32, #tpu.memory_space<vmem_shared>> -> memref<60x128xf32, #tpu.memory_space<vmem_shared>>
        tpu.wait_indirect_dma semaphore(%arg15 : memref<!tpu.dma_semaphore, #tpu.memory_space<semaphore_mem>>) src(%dma_wait3A_848 : memref<60x128xf32, #tpu.memory_space<vmem_shared>>) dst(%arg12 : memref<128x128xf32, #tpu.memory_space<vmem>>)
        %mul3A_849 = arith.constant 5120 : i32
        %mul3A_850 = arith.muli %add3A_11, %mul3A_849 : i32
        %add3A_851 = arith.constant 3968 : i32
        %add3A_852 = arith.addi %mul3A_850, %add3A_851 : i32
        %dma_start3A_853 = arith.constant 0 : i32
        %dma_start3A_854 = tpu.memref_slice %arg6[%add3A_852, %dma_start3A_853] : memref<640000x128xf32, #tpu.memory_space<hbm>> -> memref<128x128xf32, #tpu.memory_space<hbm>>
        %dma_start3A_855 = arith.constant 0 : i32
        %dma_start3A_856 = tpu.memref_slice %arg6[%add3A_852, %dma_start3A_855] : memref<640000x128xf32, #tpu.memory_space<hbm>> -> memref<128x128xf32, #tpu.memory_space<hbm>>
        tpu.enqueue_dma source(%arg12 : memref<128x128xf32, #tpu.memory_space<vmem>>) target(%dma_start3A_856 : memref<128x128xf32, #tpu.memory_space<hbm>>) target_semaphore(%arg17 : memref<!tpu.dma_semaphore, #tpu.memory_space<semaphore_mem>>)
        %dma_wait3A_857 = arith.constant 0 : i32
        %dma_wait3A_858 = tpu.memref_slice %arg6[%add3A_852, %dma_wait3A_857] : memref<640000x128xf32, #tpu.memory_space<hbm>> -> memref<128x128xf32, #tpu.memory_space<hbm>>
        %dma_wait3A_859 = arith.constant 0 : i32
        %dma_wait3A_860 = tpu.memref_slice %arg6[%add3A_852, %dma_wait3A_859] : memref<640000x128xf32, #tpu.memory_space<hbm>> -> memref<128x128xf32, #tpu.memory_space<hbm>>
        tpu.wait_dma2 semaphore(%arg17 : memref<!tpu.dma_semaphore, #tpu.memory_space<semaphore_mem>>) src(%arg12 : memref<128x128xf32, #tpu.memory_space<vmem>>) dst(%dma_wait3A_860 : memref<128x128xf32, #tpu.memory_space<hbm>>)
        %dma_start3A_861 = arith.constant 33 : i32
        %dma_start3A_862 = arith.constant 0 : i32
        %dma_start3A_863 = tpu.memref_slice %arg10[%dma_start3A_861, %dma_start3A_862] : memref<40x128xi32, #tpu.memory_space<vmem>> -> memref<1x128xi32, #tpu.memory_space<vmem>>
        %dma_start3A_864 = tpu.memref_squeeze %dma_start3A_863 : memref<1x128xi32, #tpu.memory_space<vmem>> -> memref<128xi32, #tpu.memory_space<vmem>>
        %dma_start3A_865 = arith.constant 0 : i32
        %dma_start3A_866 = arith.constant 0 : i32
        %dma_start3A_867 = tpu.memref_slice %arg13[%dma_start3A_865, %dma_start3A_866] : memref<60x128xf32, #tpu.memory_space<vmem_shared>> -> memref<60x128xf32, #tpu.memory_space<vmem_shared>>
        tpu.enqueue_indirect_dma source(%dma_start3A_867 : memref<60x128xf32, #tpu.memory_space<vmem_shared>>) target(%arg12 : memref<128x128xf32, #tpu.memory_space<vmem>>) offsets(%dma_start3A_864 : memref<128xi32, #tpu.memory_space<vmem>>) semaphore(%arg15 : memref<!tpu.dma_semaphore, #tpu.memory_space<semaphore_mem>>)
        %dma_wait3A_868 = arith.constant 32 : i32
        %dma_wait3A_869 = arith.constant 0 : i32
        %dma_wait3A_870 = tpu.memref_slice %arg10[%dma_wait3A_868, %dma_wait3A_869] : memref<40x128xi32, #tpu.memory_space<vmem>> -> memref<1x128xi32, #tpu.memory_space<vmem>>
        %dma_wait3A_871 = tpu.memref_squeeze %dma_wait3A_870 : memref<1x128xi32, #tpu.memory_space<vmem>> -> memref<128xi32, #tpu.memory_space<vmem>>
        %dma_wait3A_872 = arith.constant 0 : i32
        %dma_wait3A_873 = arith.constant 0 : i32
        %dma_wait3A_874 = tpu.memref_slice %arg13[%dma_wait3A_872, %dma_wait3A_873] : memref<60x128xf32, #tpu.memory_space<vmem_shared>> -> memref<60x128xf32, #tpu.memory_space<vmem_shared>>
        tpu.wait_indirect_dma semaphore(%arg14 : memref<!tpu.dma_semaphore, #tpu.memory_space<semaphore_mem>>) src(%dma_wait3A_874 : memref<60x128xf32, #tpu.memory_space<vmem_shared>>) dst(%arg11 : memref<128x128xf32, #tpu.memory_space<vmem>>)
        %mul3A_875 = arith.constant 5120 : i32
        %mul3A_876 = arith.muli %add3A_11, %mul3A_875 : i32
        %add3A_877 = arith.constant 4096 : i32
        %add3A_878 = arith.addi %mul3A_876, %add3A_877 : i32
        %dma_start3A_879 = arith.constant 0 : i32
        %dma_start3A_880 = tpu.memref_slice %arg6[%add3A_878, %dma_start3A_879] : memref<640000x128xf32, #tpu.memory_space<hbm>> -> memref<128x128xf32, #tpu.memory_space<hbm>>
        %dma_start3A_881 = arith.constant 0 : i32
        %dma_start3A_882 = tpu.memref_slice %arg6[%add3A_878, %dma_start3A_881] : memref<640000x128xf32, #tpu.memory_space<hbm>> -> memref<128x128xf32, #tpu.memory_space<hbm>>
        tpu.enqueue_dma source(%arg11 : memref<128x128xf32, #tpu.memory_space<vmem>>) target(%dma_start3A_882 : memref<128x128xf32, #tpu.memory_space<hbm>>) target_semaphore(%arg16 : memref<!tpu.dma_semaphore, #tpu.memory_space<semaphore_mem>>)
        %dma_wait3A_883 = arith.constant 0 : i32
        %dma_wait3A_884 = tpu.memref_slice %arg6[%add3A_878, %dma_wait3A_883] : memref<640000x128xf32, #tpu.memory_space<hbm>> -> memref<128x128xf32, #tpu.memory_space<hbm>>
        %dma_wait3A_885 = arith.constant 0 : i32
        %dma_wait3A_886 = tpu.memref_slice %arg6[%add3A_878, %dma_wait3A_885] : memref<640000x128xf32, #tpu.memory_space<hbm>> -> memref<128x128xf32, #tpu.memory_space<hbm>>
        tpu.wait_dma2 semaphore(%arg16 : memref<!tpu.dma_semaphore, #tpu.memory_space<semaphore_mem>>) src(%arg11 : memref<128x128xf32, #tpu.memory_space<vmem>>) dst(%dma_wait3A_886 : memref<128x128xf32, #tpu.memory_space<hbm>>)
        %dma_start3A_887 = arith.constant 34 : i32
        %dma_start3A_888 = arith.constant 0 : i32
        %dma_start3A_889 = tpu.memref_slice %arg10[%dma_start3A_887, %dma_start3A_888] : memref<40x128xi32, #tpu.memory_space<vmem>> -> memref<1x128xi32, #tpu.memory_space<vmem>>
        %dma_start3A_890 = tpu.memref_squeeze %dma_start3A_889 : memref<1x128xi32, #tpu.memory_space<vmem>> -> memref<128xi32, #tpu.memory_space<vmem>>
        %dma_start3A_891 = arith.constant 0 : i32
        %dma_start3A_892 = arith.constant 0 : i32
        %dma_start3A_893 = tpu.memref_slice %arg13[%dma_start3A_891, %dma_start3A_892] : memref<60x128xf32, #tpu.memory_space<vmem_shared>> -> memref<60x128xf32, #tpu.memory_space<vmem_shared>>
        tpu.enqueue_indirect_dma source(%dma_start3A_893 : memref<60x128xf32, #tpu.memory_space<vmem_shared>>) target(%arg11 : memref<128x128xf32, #tpu.memory_space<vmem>>) offsets(%dma_start3A_890 : memref<128xi32, #tpu.memory_space<vmem>>) semaphore(%arg14 : memref<!tpu.dma_semaphore, #tpu.memory_space<semaphore_mem>>)
        %dma_wait3A_894 = arith.constant 33 : i32
        %dma_wait3A_895 = arith.constant 0 : i32
        %dma_wait3A_896 = tpu.memref_slice %arg10[%dma_wait3A_894, %dma_wait3A_895] : memref<40x128xi32, #tpu.memory_space<vmem>> -> memref<1x128xi32, #tpu.memory_space<vmem>>
        %dma_wait3A_897 = tpu.memref_squeeze %dma_wait3A_896 : memref<1x128xi32, #tpu.memory_space<vmem>> -> memref<128xi32, #tpu.memory_space<vmem>>
        %dma_wait3A_898 = arith.constant 0 : i32
        %dma_wait3A_899 = arith.constant 0 : i32
        %dma_wait3A_900 = tpu.memref_slice %arg13[%dma_wait3A_898, %dma_wait3A_899] : memref<60x128xf32, #tpu.memory_space<vmem_shared>> -> memref<60x128xf32, #tpu.memory_space<vmem_shared>>
        tpu.wait_indirect_dma semaphore(%arg15 : memref<!tpu.dma_semaphore, #tpu.memory_space<semaphore_mem>>) src(%dma_wait3A_900 : memref<60x128xf32, #tpu.memory_space<vmem_shared>>) dst(%arg12 : memref<128x128xf32, #tpu.memory_space<vmem>>)
        %mul3A_901 = arith.constant 5120 : i32
        %mul3A_902 = arith.muli %add3A_11, %mul3A_901 : i32
        %add3A_903 = arith.constant 4224 : i32
        %add3A_904 = arith.addi %mul3A_902, %add3A_903 : i32
        %dma_start3A_905 = arith.constant 0 : i32
        %dma_start3A_906 = tpu.memref_slice %arg6[%add3A_904, %dma_start3A_905] : memref<640000x128xf32, #tpu.memory_space<hbm>> -> memref<128x128xf32, #tpu.memory_space<hbm>>
        %dma_start3A_907 = arith.constant 0 : i32
        %dma_start3A_908 = tpu.memref_slice %arg6[%add3A_904, %dma_start3A_907] : memref<640000x128xf32, #tpu.memory_space<hbm>> -> memref<128x128xf32, #tpu.memory_space<hbm>>
        tpu.enqueue_dma source(%arg12 : memref<128x128xf32, #tpu.memory_space<vmem>>) target(%dma_start3A_908 : memref<128x128xf32, #tpu.memory_space<hbm>>) target_semaphore(%arg17 : memref<!tpu.dma_semaphore, #tpu.memory_space<semaphore_mem>>)
        %dma_wait3A_909 = arith.constant 0 : i32
        %dma_wait3A_910 = tpu.memref_slice %arg6[%add3A_904, %dma_wait3A_909] : memref<640000x128xf32, #tpu.memory_space<hbm>> -> memref<128x128xf32, #tpu.memory_space<hbm>>
        %dma_wait3A_911 = arith.constant 0 : i32
        %dma_wait3A_912 = tpu.memref_slice %arg6[%add3A_904, %dma_wait3A_911] : memref<640000x128xf32, #tpu.memory_space<hbm>> -> memref<128x128xf32, #tpu.memory_space<hbm>>
        tpu.wait_dma2 semaphore(%arg17 : memref<!tpu.dma_semaphore, #tpu.memory_space<semaphore_mem>>) src(%arg12 : memref<128x128xf32, #tpu.memory_space<vmem>>) dst(%dma_wait3A_912 : memref<128x128xf32, #tpu.memory_space<hbm>>)
        %dma_start3A_913 = arith.constant 35 : i32
        %dma_start3A_914 = arith.constant 0 : i32
        %dma_start3A_915 = tpu.memref_slice %arg10[%dma_start3A_913, %dma_start3A_914] : memref<40x128xi32, #tpu.memory_space<vmem>> -> memref<1x128xi32, #tpu.memory_space<vmem>>
        %dma_start3A_916 = tpu.memref_squeeze %dma_start3A_915 : memref<1x128xi32, #tpu.memory_space<vmem>> -> memref<128xi32, #tpu.memory_space<vmem>>
        %dma_start3A_917 = arith.constant 0 : i32
        %dma_start3A_918 = arith.constant 0 : i32
        %dma_start3A_919 = tpu.memref_slice %arg13[%dma_start3A_917, %dma_start3A_918] : memref<60x128xf32, #tpu.memory_space<vmem_shared>> -> memref<60x128xf32, #tpu.memory_space<vmem_shared>>
        tpu.enqueue_indirect_dma source(%dma_start3A_919 : memref<60x128xf32, #tpu.memory_space<vmem_shared>>) target(%arg12 : memref<128x128xf32, #tpu.memory_space<vmem>>) offsets(%dma_start3A_916 : memref<128xi32, #tpu.memory_space<vmem>>) semaphore(%arg15 : memref<!tpu.dma_semaphore, #tpu.memory_space<semaphore_mem>>)
        %dma_wait3A_920 = arith.constant 34 : i32
        %dma_wait3A_921 = arith.constant 0 : i32
        %dma_wait3A_922 = tpu.memref_slice %arg10[%dma_wait3A_920, %dma_wait3A_921] : memref<40x128xi32, #tpu.memory_space<vmem>> -> memref<1x128xi32, #tpu.memory_space<vmem>>
        %dma_wait3A_923 = tpu.memref_squeeze %dma_wait3A_922 : memref<1x128xi32, #tpu.memory_space<vmem>> -> memref<128xi32, #tpu.memory_space<vmem>>
        %dma_wait3A_924 = arith.constant 0 : i32
        %dma_wait3A_925 = arith.constant 0 : i32
        %dma_wait3A_926 = tpu.memref_slice %arg13[%dma_wait3A_924, %dma_wait3A_925] : memref<60x128xf32, #tpu.memory_space<vmem_shared>> -> memref<60x128xf32, #tpu.memory_space<vmem_shared>>
        tpu.wait_indirect_dma semaphore(%arg14 : memref<!tpu.dma_semaphore, #tpu.memory_space<semaphore_mem>>) src(%dma_wait3A_926 : memref<60x128xf32, #tpu.memory_space<vmem_shared>>) dst(%arg11 : memref<128x128xf32, #tpu.memory_space<vmem>>)
        %mul3A_927 = arith.constant 5120 : i32
        %mul3A_928 = arith.muli %add3A_11, %mul3A_927 : i32
        %add3A_929 = arith.constant 4352 : i32
        %add3A_930 = arith.addi %mul3A_928, %add3A_929 : i32
        %dma_start3A_931 = arith.constant 0 : i32
        %dma_start3A_932 = tpu.memref_slice %arg6[%add3A_930, %dma_start3A_931] : memref<640000x128xf32, #tpu.memory_space<hbm>> -> memref<128x128xf32, #tpu.memory_space<hbm>>
        %dma_start3A_933 = arith.constant 0 : i32
        %dma_start3A_934 = tpu.memref_slice %arg6[%add3A_930, %dma_start3A_933] : memref<640000x128xf32, #tpu.memory_space<hbm>> -> memref<128x128xf32, #tpu.memory_space<hbm>>
        tpu.enqueue_dma source(%arg11 : memref<128x128xf32, #tpu.memory_space<vmem>>) target(%dma_start3A_934 : memref<128x128xf32, #tpu.memory_space<hbm>>) target_semaphore(%arg16 : memref<!tpu.dma_semaphore, #tpu.memory_space<semaphore_mem>>)
        %dma_wait3A_935 = arith.constant 0 : i32
        %dma_wait3A_936 = tpu.memref_slice %arg6[%add3A_930, %dma_wait3A_935] : memref<640000x128xf32, #tpu.memory_space<hbm>> -> memref<128x128xf32, #tpu.memory_space<hbm>>
        %dma_wait3A_937 = arith.constant 0 : i32
        %dma_wait3A_938 = tpu.memref_slice %arg6[%add3A_930, %dma_wait3A_937] : memref<640000x128xf32, #tpu.memory_space<hbm>> -> memref<128x128xf32, #tpu.memory_space<hbm>>
        tpu.wait_dma2 semaphore(%arg16 : memref<!tpu.dma_semaphore, #tpu.memory_space<semaphore_mem>>) src(%arg11 : memref<128x128xf32, #tpu.memory_space<vmem>>) dst(%dma_wait3A_938 : memref<128x128xf32, #tpu.memory_space<hbm>>)
        %dma_start3A_939 = arith.constant 36 : i32
        %dma_start3A_940 = arith.constant 0 : i32
        %dma_start3A_941 = tpu.memref_slice %arg10[%dma_start3A_939, %dma_start3A_940] : memref<40x128xi32, #tpu.memory_space<vmem>> -> memref<1x128xi32, #tpu.memory_space<vmem>>
        %dma_start3A_942 = tpu.memref_squeeze %dma_start3A_941 : memref<1x128xi32, #tpu.memory_space<vmem>> -> memref<128xi32, #tpu.memory_space<vmem>>
        %dma_start3A_943 = arith.constant 0 : i32
        %dma_start3A_944 = arith.constant 0 : i32
        %dma_start3A_945 = tpu.memref_slice %arg13[%dma_start3A_943, %dma_start3A_944] : memref<60x128xf32, #tpu.memory_space<vmem_shared>> -> memref<60x128xf32, #tpu.memory_space<vmem_shared>>
        tpu.enqueue_indirect_dma source(%dma_start3A_945 : memref<60x128xf32, #tpu.memory_space<vmem_shared>>) target(%arg11 : memref<128x128xf32, #tpu.memory_space<vmem>>) offsets(%dma_start3A_942 : memref<128xi32, #tpu.memory_space<vmem>>) semaphore(%arg14 : memref<!tpu.dma_semaphore, #tpu.memory_space<semaphore_mem>>)
        %dma_wait3A_946 = arith.constant 35 : i32
        %dma_wait3A_947 = arith.constant 0 : i32
        %dma_wait3A_948 = tpu.memref_slice %arg10[%dma_wait3A_946, %dma_wait3A_947] : memref<40x128xi32, #tpu.memory_space<vmem>> -> memref<1x128xi32, #tpu.memory_space<vmem>>
        %dma_wait3A_949 = tpu.memref_squeeze %dma_wait3A_948 : memref<1x128xi32, #tpu.memory_space<vmem>> -> memref<128xi32, #tpu.memory_space<vmem>>
        %dma_wait3A_950 = arith.constant 0 : i32
        %dma_wait3A_951 = arith.constant 0 : i32
        %dma_wait3A_952 = tpu.memref_slice %arg13[%dma_wait3A_950, %dma_wait3A_951] : memref<60x128xf32, #tpu.memory_space<vmem_shared>> -> memref<60x128xf32, #tpu.memory_space<vmem_shared>>
        tpu.wait_indirect_dma semaphore(%arg15 : memref<!tpu.dma_semaphore, #tpu.memory_space<semaphore_mem>>) src(%dma_wait3A_952 : memref<60x128xf32, #tpu.memory_space<vmem_shared>>) dst(%arg12 : memref<128x128xf32, #tpu.memory_space<vmem>>)
        %mul3A_953 = arith.constant 5120 : i32
        %mul3A_954 = arith.muli %add3A_11, %mul3A_953 : i32
        %add3A_955 = arith.constant 4480 : i32
        %add3A_956 = arith.addi %mul3A_954, %add3A_955 : i32
        %dma_start3A_957 = arith.constant 0 : i32
        %dma_start3A_958 = tpu.memref_slice %arg6[%add3A_956, %dma_start3A_957] : memref<640000x128xf32, #tpu.memory_space<hbm>> -> memref<128x128xf32, #tpu.memory_space<hbm>>
        %dma_start3A_959 = arith.constant 0 : i32
        %dma_start3A_960 = tpu.memref_slice %arg6[%add3A_956, %dma_start3A_959] : memref<640000x128xf32, #tpu.memory_space<hbm>> -> memref<128x128xf32, #tpu.memory_space<hbm>>
        tpu.enqueue_dma source(%arg12 : memref<128x128xf32, #tpu.memory_space<vmem>>) target(%dma_start3A_960 : memref<128x128xf32, #tpu.memory_space<hbm>>) target_semaphore(%arg17 : memref<!tpu.dma_semaphore, #tpu.memory_space<semaphore_mem>>)
        %dma_wait3A_961 = arith.constant 0 : i32
        %dma_wait3A_962 = tpu.memref_slice %arg6[%add3A_956, %dma_wait3A_961] : memref<640000x128xf32, #tpu.memory_space<hbm>> -> memref<128x128xf32, #tpu.memory_space<hbm>>
        %dma_wait3A_963 = arith.constant 0 : i32
        %dma_wait3A_964 = tpu.memref_slice %arg6[%add3A_956, %dma_wait3A_963] : memref<640000x128xf32, #tpu.memory_space<hbm>> -> memref<128x128xf32, #tpu.memory_space<hbm>>
        tpu.wait_dma2 semaphore(%arg17 : memref<!tpu.dma_semaphore, #tpu.memory_space<semaphore_mem>>) src(%arg12 : memref<128x128xf32, #tpu.memory_space<vmem>>) dst(%dma_wait3A_964 : memref<128x128xf32, #tpu.memory_space<hbm>>)
        %dma_start3A_965 = arith.constant 37 : i32
        %dma_start3A_966 = arith.constant 0 : i32
        %dma_start3A_967 = tpu.memref_slice %arg10[%dma_start3A_965, %dma_start3A_966] : memref<40x128xi32, #tpu.memory_space<vmem>> -> memref<1x128xi32, #tpu.memory_space<vmem>>
        %dma_start3A_968 = tpu.memref_squeeze %dma_start3A_967 : memref<1x128xi32, #tpu.memory_space<vmem>> -> memref<128xi32, #tpu.memory_space<vmem>>
        %dma_start3A_969 = arith.constant 0 : i32
        %dma_start3A_970 = arith.constant 0 : i32
        %dma_start3A_971 = tpu.memref_slice %arg13[%dma_start3A_969, %dma_start3A_970] : memref<60x128xf32, #tpu.memory_space<vmem_shared>> -> memref<60x128xf32, #tpu.memory_space<vmem_shared>>
        tpu.enqueue_indirect_dma source(%dma_start3A_971 : memref<60x128xf32, #tpu.memory_space<vmem_shared>>) target(%arg12 : memref<128x128xf32, #tpu.memory_space<vmem>>) offsets(%dma_start3A_968 : memref<128xi32, #tpu.memory_space<vmem>>) semaphore(%arg15 : memref<!tpu.dma_semaphore, #tpu.memory_space<semaphore_mem>>)
        %dma_wait3A_972 = arith.constant 36 : i32
        %dma_wait3A_973 = arith.constant 0 : i32
        %dma_wait3A_974 = tpu.memref_slice %arg10[%dma_wait3A_972, %dma_wait3A_973] : memref<40x128xi32, #tpu.memory_space<vmem>> -> memref<1x128xi32, #tpu.memory_space<vmem>>
        %dma_wait3A_975 = tpu.memref_squeeze %dma_wait3A_974 : memref<1x128xi32, #tpu.memory_space<vmem>> -> memref<128xi32, #tpu.memory_space<vmem>>
        %dma_wait3A_976 = arith.constant 0 : i32
        %dma_wait3A_977 = arith.constant 0 : i32
        %dma_wait3A_978 = tpu.memref_slice %arg13[%dma_wait3A_976, %dma_wait3A_977] : memref<60x128xf32, #tpu.memory_space<vmem_shared>> -> memref<60x128xf32, #tpu.memory_space<vmem_shared>>
        tpu.wait_indirect_dma semaphore(%arg14 : memref<!tpu.dma_semaphore, #tpu.memory_space<semaphore_mem>>) src(%dma_wait3A_978 : memref<60x128xf32, #tpu.memory_space<vmem_shared>>) dst(%arg11 : memref<128x128xf32, #tpu.memory_space<vmem>>)
        %mul3A_979 = arith.constant 5120 : i32
        %mul3A_980 = arith.muli %add3A_11, %mul3A_979 : i32
        %add3A_981 = arith.constant 4608 : i32
        %add3A_982 = arith.addi %mul3A_980, %add3A_981 : i32
        %dma_start3A_983 = arith.constant 0 : i32
        %dma_start3A_984 = tpu.memref_slice %arg6[%add3A_982, %dma_start3A_983] : memref<640000x128xf32, #tpu.memory_space<hbm>> -> memref<128x128xf32, #tpu.memory_space<hbm>>
        %dma_start3A_985 = arith.constant 0 : i32
        %dma_start3A_986 = tpu.memref_slice %arg6[%add3A_982, %dma_start3A_985] : memref<640000x128xf32, #tpu.memory_space<hbm>> -> memref<128x128xf32, #tpu.memory_space<hbm>>
        tpu.enqueue_dma source(%arg11 : memref<128x128xf32, #tpu.memory_space<vmem>>) target(%dma_start3A_986 : memref<128x128xf32, #tpu.memory_space<hbm>>) target_semaphore(%arg16 : memref<!tpu.dma_semaphore, #tpu.memory_space<semaphore_mem>>)
        %dma_wait3A_987 = arith.constant 0 : i32
        %dma_wait3A_988 = tpu.memref_slice %arg6[%add3A_982, %dma_wait3A_987] : memref<640000x128xf32, #tpu.memory_space<hbm>> -> memref<128x128xf32, #tpu.memory_space<hbm>>
        %dma_wait3A_989 = arith.constant 0 : i32
        %dma_wait3A_990 = tpu.memref_slice %arg6[%add3A_982, %dma_wait3A_989] : memref<640000x128xf32, #tpu.memory_space<hbm>> -> memref<128x128xf32, #tpu.memory_space<hbm>>
        tpu.wait_dma2 semaphore(%arg16 : memref<!tpu.dma_semaphore, #tpu.memory_space<semaphore_mem>>) src(%arg11 : memref<128x128xf32, #tpu.memory_space<vmem>>) dst(%dma_wait3A_990 : memref<128x128xf32, #tpu.memory_space<hbm>>)
        %dma_start3A_991 = arith.constant 38 : i32
        %dma_start3A_992 = arith.constant 0 : i32
        %dma_start3A_993 = tpu.memref_slice %arg10[%dma_start3A_991, %dma_start3A_992] : memref<40x128xi32, #tpu.memory_space<vmem>> -> memref<1x128xi32, #tpu.memory_space<vmem>>
        %dma_start3A_994 = tpu.memref_squeeze %dma_start3A_993 : memref<1x128xi32, #tpu.memory_space<vmem>> -> memref<128xi32, #tpu.memory_space<vmem>>
        %dma_start3A_995 = arith.constant 0 : i32
        %dma_start3A_996 = arith.constant 0 : i32
        %dma_start3A_997 = tpu.memref_slice %arg13[%dma_start3A_995, %dma_start3A_996] : memref<60x128xf32, #tpu.memory_space<vmem_shared>> -> memref<60x128xf32, #tpu.memory_space<vmem_shared>>
        tpu.enqueue_indirect_dma source(%dma_start3A_997 : memref<60x128xf32, #tpu.memory_space<vmem_shared>>) target(%arg11 : memref<128x128xf32, #tpu.memory_space<vmem>>) offsets(%dma_start3A_994 : memref<128xi32, #tpu.memory_space<vmem>>) semaphore(%arg14 : memref<!tpu.dma_semaphore, #tpu.memory_space<semaphore_mem>>)
        %dma_wait3A_998 = arith.constant 37 : i32
        %dma_wait3A_999 = arith.constant 0 : i32
        %dma_wait3A_1000 = tpu.memref_slice %arg10[%dma_wait3A_998, %dma_wait3A_999] : memref<40x128xi32, #tpu.memory_space<vmem>> -> memref<1x128xi32, #tpu.memory_space<vmem>>
        %dma_wait3A_1001 = tpu.memref_squeeze %dma_wait3A_1000 : memref<1x128xi32, #tpu.memory_space<vmem>> -> memref<128xi32, #tpu.memory_space<vmem>>
        %dma_wait3A_1002 = arith.constant 0 : i32
        %dma_wait3A_1003 = arith.constant 0 : i32
        %dma_wait3A_1004 = tpu.memref_slice %arg13[%dma_wait3A_1002, %dma_wait3A_1003] : memref<60x128xf32, #tpu.memory_space<vmem_shared>> -> memref<60x128xf32, #tpu.memory_space<vmem_shared>>
        tpu.wait_indirect_dma semaphore(%arg15 : memref<!tpu.dma_semaphore, #tpu.memory_space<semaphore_mem>>) src(%dma_wait3A_1004 : memref<60x128xf32, #tpu.memory_space<vmem_shared>>) dst(%arg12 : memref<128x128xf32, #tpu.memory_space<vmem>>)
        %mul3A_1005 = arith.constant 5120 : i32
        %mul3A_1006 = arith.muli %add3A_11, %mul3A_1005 : i32
        %add3A_1007 = arith.constant 4736 : i32
        %add3A_1008 = arith.addi %mul3A_1006, %add3A_1007 : i32
        %dma_start3A_1009 = arith.constant 0 : i32
        %dma_start3A_1010 = tpu.memref_slice %arg6[%add3A_1008, %dma_start3A_1009] : memref<640000x128xf32, #tpu.memory_space<hbm>> -> memref<128x128xf32, #tpu.memory_space<hbm>>
        %dma_start3A_1011 = arith.constant 0 : i32
        %dma_start3A_1012 = tpu.memref_slice %arg6[%add3A_1008, %dma_start3A_1011] : memref<640000x128xf32, #tpu.memory_space<hbm>> -> memref<128x128xf32, #tpu.memory_space<hbm>>
        tpu.enqueue_dma source(%arg12 : memref<128x128xf32, #tpu.memory_space<vmem>>) target(%dma_start3A_1012 : memref<128x128xf32, #tpu.memory_space<hbm>>) target_semaphore(%arg17 : memref<!tpu.dma_semaphore, #tpu.memory_space<semaphore_mem>>)
        %dma_wait3A_1013 = arith.constant 0 : i32
        %dma_wait3A_1014 = tpu.memref_slice %arg6[%add3A_1008, %dma_wait3A_1013] : memref<640000x128xf32, #tpu.memory_space<hbm>> -> memref<128x128xf32, #tpu.memory_space<hbm>>
        %dma_wait3A_1015 = arith.constant 0 : i32
        %dma_wait3A_1016 = tpu.memref_slice %arg6[%add3A_1008, %dma_wait3A_1015] : memref<640000x128xf32, #tpu.memory_space<hbm>> -> memref<128x128xf32, #tpu.memory_space<hbm>>
        tpu.wait_dma2 semaphore(%arg17 : memref<!tpu.dma_semaphore, #tpu.memory_space<semaphore_mem>>) src(%arg12 : memref<128x128xf32, #tpu.memory_space<vmem>>) dst(%dma_wait3A_1016 : memref<128x128xf32, #tpu.memory_space<hbm>>)
        %dma_start3A_1017 = arith.constant 39 : i32
        %dma_start3A_1018 = arith.constant 0 : i32
        %dma_start3A_1019 = tpu.memref_slice %arg10[%dma_start3A_1017, %dma_start3A_1018] : memref<40x128xi32, #tpu.memory_space<vmem>> -> memref<1x128xi32, #tpu.memory_space<vmem>>
        %dma_start3A_1020 = tpu.memref_squeeze %dma_start3A_1019 : memref<1x128xi32, #tpu.memory_space<vmem>> -> memref<128xi32, #tpu.memory_space<vmem>>
        %dma_start3A_1021 = arith.constant 0 : i32
        %dma_start3A_1022 = arith.constant 0 : i32
        %dma_start3A_1023 = tpu.memref_slice %arg13[%dma_start3A_1021, %dma_start3A_1022] : memref<60x128xf32, #tpu.memory_space<vmem_shared>> -> memref<60x128xf32, #tpu.memory_space<vmem_shared>>
        tpu.enqueue_indirect_dma source(%dma_start3A_1023 : memref<60x128xf32, #tpu.memory_space<vmem_shared>>) target(%arg12 : memref<128x128xf32, #tpu.memory_space<vmem>>) offsets(%dma_start3A_1020 : memref<128xi32, #tpu.memory_space<vmem>>) semaphore(%arg15 : memref<!tpu.dma_semaphore, #tpu.memory_space<semaphore_mem>>)
        %dma_wait3A_1024 = arith.constant 38 : i32
        %dma_wait3A_1025 = arith.constant 0 : i32
        %dma_wait3A_1026 = tpu.memref_slice %arg10[%dma_wait3A_1024, %dma_wait3A_1025] : memref<40x128xi32, #tpu.memory_space<vmem>> -> memref<1x128xi32, #tpu.memory_space<vmem>>
        %dma_wait3A_1027 = tpu.memref_squeeze %dma_wait3A_1026 : memref<1x128xi32, #tpu.memory_space<vmem>> -> memref<128xi32, #tpu.memory_space<vmem>>
        %dma_wait3A_1028 = arith.constant 0 : i32
        %dma_wait3A_1029 = arith.constant 0 : i32
        %dma_wait3A_1030 = tpu.memref_slice %arg13[%dma_wait3A_1028, %dma_wait3A_1029] : memref<60x128xf32, #tpu.memory_space<vmem_shared>> -> memref<60x128xf32, #tpu.memory_space<vmem_shared>>
        tpu.wait_indirect_dma semaphore(%arg14 : memref<!tpu.dma_semaphore, #tpu.memory_space<semaphore_mem>>) src(%dma_wait3A_1030 : memref<60x128xf32, #tpu.memory_space<vmem_shared>>) dst(%arg11 : memref<128x128xf32, #tpu.memory_space<vmem>>)
        %mul3A_1031 = arith.constant 5120 : i32
        %mul3A_1032 = arith.muli %add3A_11, %mul3A_1031 : i32
        %add3A_1033 = arith.constant 4864 : i32
        %add3A_1034 = arith.addi %mul3A_1032, %add3A_1033 : i32
        %dma_start3A_1035 = arith.constant 0 : i32
        %dma_start3A_1036 = tpu.memref_slice %arg6[%add3A_1034, %dma_start3A_1035] : memref<640000x128xf32, #tpu.memory_space<hbm>> -> memref<128x128xf32, #tpu.memory_space<hbm>>
        %dma_start3A_1037 = arith.constant 0 : i32
        %dma_start3A_1038 = tpu.memref_slice %arg6[%add3A_1034, %dma_start3A_1037] : memref<640000x128xf32, #tpu.memory_space<hbm>> -> memref<128x128xf32, #tpu.memory_space<hbm>>
        tpu.enqueue_dma source(%arg11 : memref<128x128xf32, #tpu.memory_space<vmem>>) target(%dma_start3A_1038 : memref<128x128xf32, #tpu.memory_space<hbm>>) target_semaphore(%arg16 : memref<!tpu.dma_semaphore, #tpu.memory_space<semaphore_mem>>)
        %dma_wait3A_1039 = arith.constant 39 : i32
        %dma_wait3A_1040 = arith.constant 0 : i32
        %dma_wait3A_1041 = tpu.memref_slice %arg10[%dma_wait3A_1039, %dma_wait3A_1040] : memref<40x128xi32, #tpu.memory_space<vmem>> -> memref<1x128xi32, #tpu.memory_space<vmem>>
        %dma_wait3A_1042 = tpu.memref_squeeze %dma_wait3A_1041 : memref<1x128xi32, #tpu.memory_space<vmem>> -> memref<128xi32, #tpu.memory_space<vmem>>
        %dma_wait3A_1043 = arith.constant 0 : i32
        %dma_wait3A_1044 = arith.constant 0 : i32
        %dma_wait3A_1045 = tpu.memref_slice %arg13[%dma_wait3A_1043, %dma_wait3A_1044] : memref<60x128xf32, #tpu.memory_space<vmem_shared>> -> memref<60x128xf32, #tpu.memory_space<vmem_shared>>
        tpu.wait_indirect_dma semaphore(%arg15 : memref<!tpu.dma_semaphore, #tpu.memory_space<semaphore_mem>>) src(%dma_wait3A_1045 : memref<60x128xf32, #tpu.memory_space<vmem_shared>>) dst(%arg12 : memref<128x128xf32, #tpu.memory_space<vmem>>)
        %mul3A_1046 = arith.constant 5120 : i32
        %mul3A_1047 = arith.muli %add3A_11, %mul3A_1046 : i32
        %add3A_1048 = arith.constant 4992 : i32
        %add3A_1049 = arith.addi %mul3A_1047, %add3A_1048 : i32
        %dma_start3A_1050 = arith.constant 0 : i32
        %dma_start3A_1051 = tpu.memref_slice %arg6[%add3A_1049, %dma_start3A_1050] : memref<640000x128xf32, #tpu.memory_space<hbm>> -> memref<128x128xf32, #tpu.memory_space<hbm>>
        %dma_start3A_1052 = arith.constant 0 : i32
        %dma_start3A_1053 = tpu.memref_slice %arg6[%add3A_1049, %dma_start3A_1052] : memref<640000x128xf32, #tpu.memory_space<hbm>> -> memref<128x128xf32, #tpu.memory_space<hbm>>
        tpu.enqueue_dma source(%arg12 : memref<128x128xf32, #tpu.memory_space<vmem>>) target(%dma_start3A_1053 : memref<128x128xf32, #tpu.memory_space<hbm>>) target_semaphore(%arg17 : memref<!tpu.dma_semaphore, #tpu.memory_space<semaphore_mem>>)
        %dma_wait3A_1054 = arith.constant 0 : i32
        %dma_wait3A_1055 = tpu.memref_slice %arg6[%add3A_1034, %dma_wait3A_1054] : memref<640000x128xf32, #tpu.memory_space<hbm>> -> memref<128x128xf32, #tpu.memory_space<hbm>>
        %dma_wait3A_1056 = arith.constant 0 : i32
        %dma_wait3A_1057 = tpu.memref_slice %arg6[%add3A_1034, %dma_wait3A_1056] : memref<640000x128xf32, #tpu.memory_space<hbm>> -> memref<128x128xf32, #tpu.memory_space<hbm>>
        tpu.wait_dma2 semaphore(%arg16 : memref<!tpu.dma_semaphore, #tpu.memory_space<semaphore_mem>>) src(%arg11 : memref<128x128xf32, #tpu.memory_space<vmem>>) dst(%dma_wait3A_1057 : memref<128x128xf32, #tpu.memory_space<hbm>>)
        %dma_wait3A_1058 = arith.constant 0 : i32
        %dma_wait3A_1059 = tpu.memref_slice %arg6[%add3A_1049, %dma_wait3A_1058] : memref<640000x128xf32, #tpu.memory_space<hbm>> -> memref<128x128xf32, #tpu.memory_space<hbm>>
        %dma_wait3A_1060 = arith.constant 0 : i32
        %dma_wait3A_1061 = tpu.memref_slice %arg6[%add3A_1049, %dma_wait3A_1060] : memref<640000x128xf32, #tpu.memory_space<hbm>> -> memref<128x128xf32, #tpu.memory_space<hbm>>
        tpu.wait_dma2 semaphore(%arg17 : memref<!tpu.dma_semaphore, #tpu.memory_space<semaphore_mem>>) src(%arg12 : memref<128x128xf32, #tpu.memory_space<vmem>>) dst(%dma_wait3A_1061 : memref<128x128xf32, #tpu.memory_space<hbm>>)
      } else {
      }
    }
    %scan3A_7 = arith.constant 4 : i32
    return
  }
}

module attributes {stable_mosaic.version = 14 : i64} {
  func.func @_combo_body(%arg0: memref<5x128xf32, #tpu.memory_space<vmem>>, %arg1: memref<6x128xf32, #tpu.memory_space<vmem>>, %arg2: memref<2x128xf32, #tpu.memory_space<vmem>>, %arg3: memref<60x128xf32, #tpu.memory_space<vmem>>) attributes {dimension_semantics = [], scalar_prefetch = 0 : i64, scratch_operands = 0 : i64, tpu.core_type = #tpu.core_type<tc>} {
    %get3A = arith.constant 0 : index
    %get3A_0 = arith.constant 0 : index
    %get3A_1 = vector.load %arg0[%get3A, %get3A_0] : memref<5x128xf32, #tpu.memory_space<vmem>>, vector<5x128xf32>
    %broadcast_in_dim3A = vector.shape_cast %get3A_1 : vector<5x128xf32> to vector<5x1x128xf32>
    %get3A_2 = arith.constant 0 : index
    %get3A_3 = arith.constant 0 : index
    %get3A_4 = vector.load %arg1[%get3A_2, %get3A_3] : memref<6x128xf32, #tpu.memory_space<vmem>>, vector<6x128xf32>
    %broadcast_in_dim3A_5 = vector.shape_cast %get3A_4 : vector<6x128xf32> to vector<1x6x128xf32>
    %add3A = vector.broadcast %broadcast_in_dim3A : vector<5x1x128xf32> to vector<5x6x128xf32>
    %add3A_6 = vector.broadcast %broadcast_in_dim3A_5 : vector<1x6x128xf32> to vector<5x6x128xf32>
    %add3A_7 = arith.addf %add3A, %add3A_6 : vector<5x6x128xf32>
    %reshape3A = vector.shape_cast %add3A_7 : vector<5x6x128xf32> to vector<30x128xf32>
    %broadcast_in_dim3A_8 = vector.shape_cast %reshape3A : vector<30x128xf32> to vector<30x1x128xf32>
    %get3A_9 = arith.constant 0 : index
    %get3A_10 = arith.constant 0 : index
    %get3A_11 = vector.load %arg2[%get3A_9, %get3A_10] : memref<2x128xf32, #tpu.memory_space<vmem>>, vector<2x128xf32>
    %broadcast_in_dim3A_12 = vector.shape_cast %get3A_11 : vector<2x128xf32> to vector<1x2x128xf32>
    %add3A_13 = vector.broadcast %broadcast_in_dim3A_8 : vector<30x1x128xf32> to vector<30x2x128xf32>
    %add3A_14 = vector.broadcast %broadcast_in_dim3A_12 : vector<1x2x128xf32> to vector<30x2x128xf32>
    %add3A_15 = arith.addf %add3A_13, %add3A_14 : vector<30x2x128xf32>
    %reshape3A_16 = vector.shape_cast %add3A_15 : vector<30x2x128xf32> to vector<60x128xf32>
    %swap3A = arith.constant 0 : index
    %swap3A_17 = arith.constant 0 : index
    %swap3A_18 = vector.load %arg3[%swap3A, %swap3A_17] : memref<60x128xf32, #tpu.memory_space<vmem>>, vector<60x128xf32>
    tpu.vector_store %arg3[%swap3A, %swap3A_17], %reshape3A_16 {strides = array<i32>} : memref<60x128xf32, #tpu.memory_space<vmem>>, vector<60x128xf32>,
    return
  }
}

</mosaic_0001>

<sc_bundles>
// kernel: kernel.4.cloned.1.call-start
scs
__scs_entry_jumppad:
0x0: {  	(pc) =	sbr.rel $0x88, $3  }
0x1: {  	(tag) =	ssettag $0x0;
	lr =	simm.s32 $0x1  }
0x2: {  	[smem:$0x3F9D] =	sst lr;
	_ =	strace $0xD0000000  }
0x3: {  	_ = 	snop  }
0x4: {  	_ = 	snop  }
0x5: {  	_ = 	snop  }
0x6: {  	_ = 	snop  }
0x7: {  	_ = 	snop  }
__scs_overlays_trampoline_lowered:
0x8: {  	[smem:$0x3FAC] =	sst s0  }
0x9: {  	[smem:$0x3FAD] =	sst s1  }
0xa: {  	[smem:$0x3FAE] =	sst s2  }
0xb: {  	[smem:$0x3FAF] =	sst s3  }
0xc: {  	[smem:$0x3FB0] =	sst s4  }
0xd: {  	[smem:$0x3FB1] =	sst s5  }
0xe: {  	[smem:$0x3FB2] =	sst s6  }
0xf: {  	[smem:$0x3FB3] =	sst s7  }
0x10: {  	[smem:$0x3FB4] =	sst s8  }
0x11: {  	[smem:$0x3FB5] =	sst s9;
	s0 =	simm.s32 @!p0 $0x0  }
0x12: {  	s1 =	sld [smem:$0x3F9B];
	s0 =	simm.s32 @p0 $0x1  }
0x13: {  	[smem:$0x3FB6] =	sst s0;
	s0 =	simm.s32 @!p1 $0x0  }
0x14: {  	s2 =	sld [smem:$0x3F9A];
	s0 =	simm.s32 @p1 $0x1  }
0x15: {  	[smem:$0x3FB7] =	sst s0;
	s0 =	simm.s32 @!p2 $0x0  }
0x16: {  	s3 =	sld [smem:$0x3FDB];
	s0 =	simm.s32 @p2 $0x1  }
0x17: {  	s4 =	simm.s32 $0x1BF5;
	[smem:$0x3FB9] =	sst s0  }
0x18: {  	s0 =	sld [smem:$0x3F9C];
	_ =	swait.ge [sflag:s4], $0x0  }
0x19: {  	s7 =	sld [smem:$0x3F9D]  }
0x1a: {  	s8 =	sadd.s32 $0xFFFFE003, lr  }
0x1b: {  	s9 =	sadd.s32 $0xFFFFFEF7, lr;
	s5 =	simm.s32 $0xFFFFFFFF;
	p2 =	slt.u32 s8, $0xFFFFF086  }
0x1c: {  	p1 =	slt.u32 s9, $0xF7A;
	s5 =	simm.s32 @!p2 $0x0  }
0x1d: {  	s5 =	simm.s32 @p1 $0x1;
	p0 =	seq.s32 s7, s2  }
0x1e: {  	s7 =	smul.u32 @!p0 $0xF7A, s2;
	p2 =	seq.s32 @!p0 s5, $0x0  }
0x1f: {  	s9 =	smul.u32 $0xF7A, s1;
	s8 =	simm.s32 @!p0 $0x1BF5;
	p2 =	por !p2, p0  }
0x20: {  	[sflag:s8] =	ssyncset.s32 @!p0 $0xFFFFF086;
	s6 =	sadd.s32 @!p0 s3, s7;
	s7 =	simm.s32 @!p0 $0x108  }
0x21: {  	s3 =	sadd.s32 s3, s9;
	s6 =	sadd.s32 @!p0 $0x88, s6;
	s7 =	simm.s32 @p2 $0x1082  }
0x22: {  	[simem:s7], [sflag:s8] =	dma.local @!p0 [hbm:s6], $0xF7A  }
0x23: {  	s9 =	sor.u32 $0xD0000000, s2;
	s6 =	simm.s32 $0x108;
	_ =	swait.ge @!p0 [sflag:s8], $0x0  }
0x24: {  	s3 =	sadd.s32 $0x88, s3;
	s6 =	simm.s32 @!p1 $0x1082;
	[sflag:s4] =	ssyncset.s32 $0xFFFFF086  }
0x25: {  	[simem:s6], [sflag:s4] =	dma.local [hbm:s3], $0xF7A  }
0x26: {  	[smem:$0x3F9D] =	sst s1;
	(tag) =	ssettag s2;
	_ =	strace s9  }
0x27: {  	s1 =	sld [smem:$0x3FAD]  }
0x28: {  	s2 =	sld [smem:$0x3FAE]  }
0x29: {  	s4 =	sld [smem:$0x3FB0]  }
0x2a: {  	p0 =	seq.s32 s5, $0x0;
	s5 =	sld [smem:$0x3FB1]  }
0x2b: {  	s6 =	sld [smem:$0x3FB2]  }
0x2c: {  	s7 =	sld [smem:$0x3FB3]  }
0x2d: {  	s3 =	simm.s32 $0x108;
	s8 =	sld [smem:$0x3FB4]  }
0x2e: {  	s3 =	simm.s32 @!p0 $0x1082;
	s9 =	sld [smem:$0x3FB5]  }
0x2f: {  	lr =	sadd.s32 s0, s3;
	s0 =	sld [smem:$0x3FAC]  }
0x30: {  	s3 =	sld [smem:$0x3FAF]  }
0x31: {  	[smem:$0x3FB8] =	sst s10  }
0x32: {  	s10 =	sld [smem:$0x3FB6];
	_ =	sdelay $0x3  }
0x33: {  	p0 =	seq.s32 s10, $0x1;
	s10 =	sld [smem:$0x3FB8];
	_ =	sdelay $0x3  }
0x34: {  	[smem:$0x3FB8] =	sst s10  }
0x35: {  	s10 =	sld [smem:$0x3FB7];
	_ =	sdelay $0x3  }
0x36: {  	p1 =	seq.s32 s10, $0x1;
	s10 =	sld [smem:$0x3FB8];
	_ =	sdelay $0x3  }
0x37: {  	[smem:$0x3FB8] =	sst s10  }
0x38: {  	s10 =	sld [smem:$0x3FB9]  }
0x39: {  	_ = 	snop;
	(pc) =	sbr.ind lr, $3  }
0x3a: {  	_ = 	snop  }
0x3b: {  	_ = 	snop  }
0x3c: {  	p2 =	seq.s32 s10, $0x1;
	s10 =	sld [smem:$0x3FB8]  }
0x3d: {  	_ =	shalt  }
0x3e: {  	_ =	shalt  }
0x3f: {  	_ =	shalt  }
0x40: {  	_ =	shalt  }
0x41: {  	_ =	shalt  }
0x42: {  	_ =	shalt  }
0x43: {  	_ =	shalt  }
0x44: {  	_ =	shalt  }
0x45: {  	_ =	shalt  }
0x46: {  	_ =	shalt  }
0x47: {  	_ =	shalt  }
0x48: {  	_ =	shalt  }
0x49: {  	_ =	shalt  }
0x4a: {  	_ =	shalt  }
0x4b: {  	_ =	shalt  }
0x4c: {  	_ =	shalt  }
0x4d: {  	_ =	shalt  }
0x4e: {  	_ =	shalt  }
0x4f: {  	_ =	shalt  }
0x50: {  	_ =	shalt  }
0x51: {  	_ =	shalt  }
0x52: {  	_ =	shalt  }
0x53: {  	_ =	shalt  }
0x54: {  	_ =	shalt  }
0x55: {  	_ =	shalt  }
0x56: {  	_ =	shalt  }
0x57: {  	_ =	shalt  }
0x58: {  	_ =	shalt  }
0x59: {  	_ =	shalt  }
0x5a: {  	_ =	shalt  }
0x5b: {  	_ =	shalt  }
0x5c: {  	_ =	shalt  }
0x5d: {  	_ =	shalt  }
0x5e: {  	_ =	shalt  }
0x5f: {  	_ =	shalt  }
0x60: {  	_ =	shalt  }
0x61: {  	_ =	shalt  }
0x62: {  	_ =	shalt  }
0x63: {  	_ =	shalt  }
0x64: {  	_ =	shalt  }
0x65: {  	_ =	shalt  }
0x66: {  	_ =	shalt  }
0x67: {  	_ =	shalt  }
0x68: {  	_ =	shalt  }
0x69: {  	_ =	shalt  }
0x6a: {  	_ =	shalt  }
0x6b: {  	_ =	shalt  }
0x6c: {  	_ =	shalt  }
0x6d: {  	_ =	shalt  }
0x6e: {  	_ =	shalt  }
0x6f: {  	_ =	shalt  }
0x70: {  	_ =	shalt  }
0x71: {  	_ =	shalt  }
0x72: {  	_ =	shalt  }
0x73: {  	_ =	shalt  }
0x74: {  	_ =	shalt  }
0x75: {  	_ =	shalt  }
0x76: {  	_ =	shalt  }
0x77: {  	_ =	shalt  }
0x78: {  	_ =	shalt  }
0x79: {  	_ =	shalt  }
0x7a: {  	_ =	shalt  }
0x7b: {  	_ =	shalt  }
0x7c: {  	_ =	shalt  }
0x7d: {  	_ =	shalt  }
0x7e: {  	_ =	shalt  }
0x7f: {  	_ =	shalt  }
0x80: {  	_ =	shalt  }
0x81: {  	_ =	shalt  }
0x82: {  	_ =	shalt  }
0x83: {  	_ =	shalt  }
0x84: {  	_ =	shalt  }
0x85: {  	_ =	shalt  }
0x86: {  	_ =	shalt  }
0x87: {  	_ =	shalt  }
.Lfunc_end0:
.L_simem_size_0:
called_computation_lowered:
.L_overlay_start_0:
0x88: {  	s2 =	sld [smem:$0x3FD9]  }
0x89: {  	s3 =	sld [smem:$0x3FFE];
	_ =	sdelay $0x1  }
0x8a: {  	s1 =	srdreg.scid  }
0x8b: {  	s0 =	sand.u32 $0x1, s1  }
0x8c: {  	s17 =	sshll.u32 s0, $0xA;
	s2 =	sadd.s32 s3, s2  }
0x8d: {  	s2 =	sadd.s32 s2, s17  }
0x8e: {  	[smem:$0x3FC4] =	sst s2  }
0x8f: {  	_ = 	snop  }
0x90: {  	s2 =	sld [smem:$0x3FD0];
	(tm) =	ssettm $0x1  }
0x91: {  	s18 =	sld [smem:$0x3FFB];
	_ =	sdelay $0x3  }
0x92: {  	_ =	strace s18  }
0x93: {  	s3 =	sld [smem:$0x3FFC];
	_ =	sdelay $0x3  }
0x94: {  	_ =	strace s3  }
0x95: {  	s3 =	sld [smem:$0x3FFD];
	_ =	sdelay $0x3  }
0x96: {  	_ =	strace s3  }
0x97: {  	_ =	strace $0x8FFFFFFF  }
0x98: {  	s19 =	sld [smem:$0x3FDB];
	_ =	sdelay $0x1  }
0x99: {  	s4 =	simm.s32 $_scs_section_size  }
0x9a: {  	s5 =	simm.s32 $_size__tile_overlayer_lowered;
	s6 =	simm.s32 $_tile_overlayer_lowered  }
0x9b: {  	s22 =	simm.s32 $0x1BFF;
	s21 =	sshll.u32 s6, $0x1;
	s3 =	sadd.s32 s4, s19  }
0x9c: {  	s7 =	simm.s32 $0x0;
	s20 =	sshll.u32 s5, $0x1;
	s5 =	sadd.s32 s21, s3  }
0x9d: {  	[timem:s7], [sflag:s22] =	dma.local [hbm:s5], s20  }
0x9e: {  	_ =	swait.ge [sflag:s22], s20  }
0x9f: {  	s4 =	ssub.s32 $0x0, s20;
	[sflag:s22] =	ssyncset.done $0x0  }
0xa0: {  	[sflag:s22] =	ssyncadd.s32 s4;
	_ =	sdelay $0x1  }
0xa1: {  	s23 =	simm.s32 $0x1B8B  }
0xa2: {  	_ =	swait.ge [sflag:s23], $0x1  }
0xa3: {  	[sflag:s23] =	ssyncset.done $0x0  }
0xa4: {  	s25 =	simm.s32 $0x1B8E;
	s24 =	sld [smem:$0x3FFE];
	[sflag:s23] =	ssyncadd.s32 $0xFFFFFFFF  }
0xa5: {  	s26 =	simm.s32 $execute0_lowered;
	[smem:$0x3FD2] =	sst s25  }
0xa6: {  	s5 =	sshll.u32 s26, $0x1;
	_ =	strace $0x80000046;
	[dreg:$0x1] =	wrdreg $0xFFFFFFFF  }
0xa7: {  	s28 =	simm.s32 $_size_execute0_lowered;
	s3 =	sadd.s32 s3, s5;
	[dreg:$0x0] =	wrdreg $0x0  }
0xa8: {  	s5 =	sshll.u32 s28, $0x1;
	[dreg:$0x2] =	wrdreg s3  }
0xa9: {  	[dreg:$0x3] =	wrdreg s5  }
0xaa: {  	[dreg:$0x4] =	wrdreg $0xC0  }
0xab: {  	_ =	task [dreg:s7], $0x5FFFF  }
0xac: {  	[dreg:$0x1] =	wrdreg $0xFFFFFFFF  }
0xad: {  	[dreg:$0x0] =	wrdreg $0x60  }
0xae: {  	[dreg:$0x2] =	wrdreg s24  }
0xaf: {  	[dreg:$0x3] =	wrdreg s2  }
0xb0: {  	[dreg:$0x4] =	wrdreg $0xD0000  }
0xb1: {  	[dreg:$0x5] =	wrdreg $0x9  }
0xb2: {  	_ =	task.clear_ibuf [dreg:s7], $0x6FFFF;
	_ =	strace $0x90000046  }
0xb3: {  	s29 =	simm.s32 $0x9;
	_ =	strace $0x80000048  }
0xb4: {  	_ =	swait.ge [sflag:s29], $0x1  }
0xb5: {  	[sflag:s29] =	ssyncadd.s32 $0xFFFFFFFF  }
0xb6: {  	_ =	strace $0x90000048  }
0xb7: {  	_ =	sfence  }
0xb8: {  	s30 =	sld [smem:$0x0];
	_ =	sdelay $0x2  }
0xb9: {  	s31 =	sshll.u32 s1, $0xD;
	s1 =	sshrl.u32 s1, $0x2  }
0xba: {  	s3 =	sand.u32 $0x4000, s31;
	s1 =	sadd.s32 s1, s30  }
0xbb: {  	s0 =	sor.u32 s3, s0;
	s1 =	sshll.u32 s1, $0x11  }
0xbc: {  	s0 =	sor.u32 s1, s0  }
0xbd: {  	s0 =	sadd.s32 $0x8F2B, s0  }
0xbe: {  	[sflag:s0] =	ssyncadd.remote.s32 $0x1  }
0xbf: {  	_ =	sfence.sel $0xFFFF  }
0xc0: {  	[dreg:$0x0] =	wrdreg $0xFFFFFFFF;
	(pc) =	sbr.abs _section_cstart, $3  }
0xc1: {  	[dreg:$0x1] =	wrdreg $0xFFFFFFFF  }
0xc2: {  	_ =	task.clear_ibuf [dreg:s7], $0x2FFFF;
	_ =	strace $0x9FFFFFFF  }
0xc3: {  	(tm) =	ssettm $0x7FFFFFFF  }
tec
execute0_lowered:
.L_overlay_start_1:
0x0: {  	(tag) =	ssettag $0x1  }
0x1: {  	s0 =	rddreg [dreg:$0x0]  }
0x2: {  	s1 =	rddreg [dreg:$0x1]  }
0x3: {  	s2 =	rddreg [dreg:$0x2];
	s3 =	simm.s32 $0x0;
	s5 =	srdreg.scid  }
0x4: {  	s26 =	stileid.u32;
	s19 =	simm.s32 $0x5;
	s22 =	simm.s32 $0x80  }
0x5: {  	s24 =	simm.s32 $0x5000;
	s28 =	simm.s32 $0x1;
	s29 =	simm.s32 $0x3  }
0x6: {  	s31 =	simm.s32 $0x2;
	s21 =	simm.s32 $0x4F80;
	s17 =	simm.s32 $0x0  }
0x7: {  	[smem:$0x7FF] =	sst s3;
	s4 =	sadd.s32 $0x28200, s0;
	s5 =	sand.u32 $0x1, s5  }
0x8: {  	s6 =	sadd.s32 $0x14800, s0;
	s7 =	sadd.s32 $0xE00, s0;
	s0 =	sadd.s32 $0x3BC00, s0  }
0x9: {  	s10 =	sadd.s32 $0x800, s1;
	s11 =	sadd.s32 $0x1000, s1;
	s12 =	sadd.s32 $0x1800, s1  }
0xa: {  	s13 =	sadd.s32 $0x2000, s1;
	s14 =	sadd.s32 $0x2800, s1;
	s15 =	sadd.s32 $0x3000, s1  }
.Ltmp0:
0xb: {  	p0 =	sne.s32 s26, $0x0;
	s8 =	ssub.s32 $0x2, s5;
	(pc) =	sbr.rel .LBB2_1-.Ltmp0, $4  }
0xc: {  	s16 =	sadd.s32 $0x3800, s1;
	_ =	strace $0x80000047;
	s9 =	sshrl.u32 s8, $0x1  }
0xd: {  	[dreg:$0x4] =	wrdreg s0;
	s0 =	sshrl.u32 @!p0 s2, $0x3;
	s8 =	ssub.s32 s8, s9  }
0xe: {  	[dreg:$0x6] =	wrdreg s0;
	s0 =	simm.s32 $0x4;
	s30 =	smax.u32 s8, $0x1  }
0xf: {  	s9 =	sshll.u32 s26, $0x1;
	s26 =	simm.s32 $0x9000;
	[dreg:$0x5] =	wrdreg s30  }
.LBB2_7:
0x10: {  	s17 =	rddreg [dreg:$0x7]  }
0x11: {  	s8 =	rddreg [dreg:$0x5];
	s17 =	sadd.s32 $0x1, s17  }
0x12: {  	p1 =	sne.s32 s17, s8  }
.Ltmp1:
0x13: {  	_ = 	snop;
	(pc) =	sbr.rel @!p1 .LBB2_8-.Ltmp1, $1  }
0x14: {  	_ =	sdelay $0x3  }
.LBB2_1:
0x15: {  	[dreg:$0x7] =	wrdreg s17  }
0x16: {  	s17 =	rddreg [dreg:$0x4]  }
0x17: {  	s8 =	simm.s32 @!p0 $0x1C05;
	s18 =	rddreg [dreg:$0x6]  }
0x18: {  	[spmem:s18], [sflag:s8] =	dma.local @!p0 [hbm:s17], $0x3C0  }
0x19: {  	s8 =	simm.s32 @!p0 $0x5  }
.Ltmp2:
0x1a: {  	_ =	swait.ge @!p0 [sflag:s8], $0x3C0;
	(pc) =	sbr.rel .LBB2_2-.Ltmp2, $4  }
0x1b: {  	[sflag:s8] =	ssyncset.done @!p0 $0x0  }
0x1c: {  	[sflag:s8] =	ssyncadd.s32 @!p0 $0xFFFFFC40  }
0x1d: {  	[bflag:$0x0] =	sbarrier.arrive $0xFFFF  }
0x1e: {  	s23 =	simm.s32 $0x0  }
.LBB2_6:
0x1f: {  	s23 =	sadd.s32 $0x1, s23  }
0x20: {  	p1 =	sne.s32 s23, $0x4  }
.Ltmp3:
0x21: {  	_ = 	snop;
	(pc) =	sbr.rel @!p1 .LBB2_7-.Ltmp3, $1  }
0x22: {  	_ =	sdelay $0x3  }
.LBB2_2:
0x23: {  	s8 =	sshll.u32 s23, $0x5  }
0x24: {  	s8 =	sor.u32 s8, s9  }
0x25: {  	s25 =	sor.u32 s5, s8  }
0x26: {  	p1 =	sgt.u32 s25, $0x7C  }
.Ltmp4:
0x27: {  	_ = 	snop;
	(pc) =	sbr.rel @p1 .LBB2_6-.Ltmp4, $1  }
0x28: {  	_ =	sdelay $0x3  }
0x29: {  	s8 =	smul.u32 $0x280, s25;
	_ =	sdelay $0x1  }
0x2a: {  	s30 =	simm.s32 $0x0;
	s17 =	sadd.s32 s4, s8  }
0x2b: {  	[tilespmem:s30], [sflag:$0x5] =	stream.linear.gather [hbm4b:s17+s30], $0x1400, $0x38;
	[tilespmem:$0xD1E0] =	vst v63  }
0x2c: {  	_ =	swait.ge [sflag:s19], $0x1400  }
0x2d: {  	[sflag:s19] =	ssyncset.done $0x0  }
0x2e: {  	s18 =	simm.s32 $0x1400;
	s20 =	sadd.s32 s6, s8;
	[sflag:s19] =	ssyncadd.s32 $0xFFFFEC00  }
0x2f: {  	[tilespmem:s18], [sflag:$0x5] =	stream.linear.gather [hbm4b:s20+s30], $0x1400, $0x38;
	[tilespmem:$0xD1E0] =	vst v63  }
0x30: {  	_ =	swait.ge [sflag:s19], $0x1400  }
0x31: {  	[sflag:s19] =	ssyncset.done $0x0  }
0x32: {  	s8 =	sadd.s32 s7, s8;
	s20 =	simm.s32 $0x2800;
	[sflag:s19] =	ssyncadd.s32 $0xFFFFEC00  }
0x33: {  	[tilespmem:s20], [sflag:$0x5] =	stream.linear.gather [hbm4b:s8+s30], $0x1400, $0x38;
	[tilespmem:$0xD1E0] =	vst v63  }
0x34: {  	_ =	swait.ge [sflag:s19], $0x1400  }
0x35: {  	[sflag:s19] =	ssyncset.done $0x0  }
0x36: {  	s17 =	simm.s32 $0x0;
	[sflag:s19] =	ssyncadd.s32 $0xFFFFEC00  }
0x37: {  	v0 =	vld [tilespmem:s17+$0x0]  }
0x38: {  	v1 =	vld [tilespmem:s17+$0x1400];
	_ =	sdelay $0x1  }
0x39: {  	v2 =	vld [tilespmem:s17+$0x2800];
	_ =	sdelay $0x1  }
0x3a: {  	v0 =	vmul.u32 $0xC, v0  }
0x3b: {  	s18 =	sand.u32 $0x7E00, s30;
	v1 =	vshll.u32 v1, $0x1  }
0x3c: {  	s20 =	sand.u32 $0x70, s30;
	s8 =	sshrl.u32 s18, $0x2;
	v0 =	vadd.s32 v0, v1  }
0x3d: {  	s20 =	sor.u32 s20, s8;
	v0 =	vadd.s32 v2, v0  }
0x3e: {  	s18 =	simm.s32 $0x10;
	s8 =	simm.s32 $0x40;
	s17 =	simm.s32 $0x80;
	[tilespmem:s20+$0x3C00] =	vst v0  }
.LBB2_4:
0x3f: {  	p1 =	sne.s32 s17, $0x4FC0;
	v0 =	vld [tilespmem:s18+$0x0]  }
0x40: {  	v1 =	vld [tilespmem:s18+$0x1400];
	_ =	sdelay $0x1  }
0x41: {  	v2 =	vld [tilespmem:s18+$0x2800];
	_ =	sdelay $0x1  }
.Ltmp5:
0x42: {  	v0 =	vmul.u32 $0xC, v0;
	(pc) =	sbr.rel @p1 .LBB2_4-.Ltmp5, $4  }
0x43: {  	s30 =	sadd.s32 $0x10, s30;
	s18 =	sand.u32 $0x7E00, s8;
	s8 =	smov.u32 s17;
	v1 =	vshll.u32 v1, $0x1  }
0x44: {  	s20 =	sand.u32 $0x70, s30;
	s18 =	sshrl.u32 s18, $0x2;
	v0 =	vadd.s32 v0, v1  }
0x45: {  	s20 =	sor.u32 s20, s18;
	v0 =	vadd.s32 v2, v0  }
0x46: {  	s17 =	sadd.s32 $0x40, s17;
	s18 =	sshra.s32 s8, $0x2;
	[tilespmem:s20+$0x3C00] =	vst v0  }
0x47: {  	v0 =	vld [tilespmem:s18+$0x0]  }
0x48: {  	v1 =	vld [tilespmem:s18+$0x1400];
	_ =	sdelay $0x1  }
0x49: {  	v2 =	vld [tilespmem:s18+$0x2800];
	_ =	sdelay $0x1  }
0x4a: {  	v0 =	vmul.u32 $0xC, v0  }
0x4b: {  	s8 =	sand.u32 $0x7E00, s8;
	s17 =	sadd.s32 $0x10, s30;
	v1 =	vshll.u32 v1, $0x1  }
0x4c: {  	s17 =	sand.u32 $0x70, s17;
	s8 =	sshrl.u32 s8, $0x2;
	v0 =	vadd.s32 v0, v1  }
0x4d: {  	s8 =	sor.u32 s17, s8;
	v0 =	vadd.s32 v2, v0  }
0x4e: {  	s20 =	simm.s32 $0x3C00;
	[tilespmem:s8+$0x3C00] =	vst v0  }
0x4f: {  	[tilespmem:s24], [sflag:$0x1] =	stream.indirect.gather [spmem:s2], $0x80, s20, s22, $0xb8;
	[tilespmem:$0xD1E0] =	vst v63  }
0x50: {  	s30 =	simm.s32 $0x3C80  }
0x51: {  	[tilespmem:s26], [sflag:$0x2] =	stream.indirect.gather [spmem:s2], $0x80, s30, s22, $0xb8;
	[tilespmem:$0xD1E0] =	vst v63  }
0x52: {  	s30 =	smul.u32 $0x14000, s25;
	_ =	swait.ge [sflag:s28], $0x4000  }
0x53: {  	[sflag:s28] =	ssyncset.done $0x0  }
0x54: {  	s17 =	sadd.s32 s1, s30;
	[sflag:s28] =	ssyncadd.s32 $0xFFFFC000  }
0x55: {  	[hbm4b:s17+s3] =	stream.linear.scatter [tilespmem:s24], [sflag:$0x3], $0x4000, $0x38;
	[tilespmem:$0xD1E0] =	vst v63  }
0x56: {  	_ =	swait.ge [sflag:s29], $0x4000  }
0x57: {  	[sflag:s29] =	ssyncset.done $0x0  }
0x58: {  	s18 =	simm.s32 $0x3D00;
	[sflag:s29] =	ssyncadd.s32 $0xFFFFC000  }
0x59: {  	[tilespmem:s24], [sflag:$0x1] =	stream.indirect.gather [spmem:s2], $0x80, s18, s22, $0xb8;
	[tilespmem:$0xD1E0] =	vst v63  }
0x5a: {  	_ =	swait.ge [sflag:s31], $0x4000  }
0x5b: {  	[sflag:s31] =	ssyncset.done $0x0  }
0x5c: {  	s20 =	sadd.s32 s30, s10;
	[sflag:s31] =	ssyncadd.s32 $0xFFFFC000  }
0x5d: {  	[hbm4b:s20+s3] =	stream.linear.scatter [tilespmem:s26], [sflag:$0x4], $0x4000, $0x38;
	[tilespmem:$0xD1E0] =	vst v63  }
0x5e: {  	_ =	swait.ge [sflag:s0], $0x4000  }
0x5f: {  	[sflag:s0] =	ssyncset.done $0x0  }
0x60: {  	s17 =	simm.s32 $0x3D80;
	[sflag:s0] =	ssyncadd.s32 $0xFFFFC000  }
0x61: {  	[tilespmem:s26], [sflag:$0x2] =	stream.indirect.gather [spmem:s2], $0x80, s17, s22, $0xb8;
	[tilespmem:$0xD1E0] =	vst v63  }
0x62: {  	_ =	swait.ge [sflag:s28], $0x4000  }
0x63: {  	[sflag:s28] =	ssyncset.done $0x0  }
0x64: {  	s18 =	sadd.s32 s30, s11;
	[sflag:s28] =	ssyncadd.s32 $0xFFFFC000  }
0x65: {  	[hbm4b:s18+s3] =	stream.linear.scatter [tilespmem:s24], [sflag:$0x3], $0x4000, $0x38;
	[tilespmem:$0xD1E0] =	vst v63  }
0x66: {  	_ =	swait.ge [sflag:s29], $0x4000  }
0x67: {  	[sflag:s29] =	ssyncset.done $0x0  }
0x68: {  	s20 =	simm.s32 $0x3E00;
	[sflag:s29] =	ssyncadd.s32 $0xFFFFC000  }
0x69: {  	[tilespmem:s24], [sflag:$0x1] =	stream.indirect.gather [spmem:s2], $0x80, s20, s22, $0xb8;
	[tilespmem:$0xD1E0] =	vst v63  }
0x6a: {  	_ =	swait.ge [sflag:s31], $0x4000  }
0x6b: {  	[sflag:s31] =	ssyncset.done $0x0  }
0x6c: {  	s17 =	sadd.s32 s30, s12;
	[sflag:s31] =	ssyncadd.s32 $0xFFFFC000  }
0x6d: {  	[hbm4b:s17+s3] =	stream.linear.scatter [tilespmem:s26], [sflag:$0x4], $0x4000, $0x38;
	[tilespmem:$0xD1E0] =	vst v63  }
0x6e: {  	_ =	swait.ge [sflag:s0], $0x4000  }
0x6f: {  	[sflag:s0] =	ssyncset.done $0x0  }
0x70: {  	s18 =	simm.s32 $0x3E80;
	[sflag:s0] =	ssyncadd.s32 $0xFFFFC000  }
0x71: {  	[tilespmem:s26], [sflag:$0x2] =	stream.indirect.gather [spmem:s2], $0x80, s18, s22, $0xb8;
	[tilespmem:$0xD1E0] =	vst v63  }
0x72: {  	_ =	swait.ge [sflag:s28], $0x4000  }
0x73: {  	[sflag:s28] =	ssyncset.done $0x0  }
0x74: {  	s20 =	sadd.s32 s30, s13;
	[sflag:s28] =	ssyncadd.s32 $0xFFFFC000  }
0x75: {  	[hbm4b:s20+s3] =	stream.linear.scatter [tilespmem:s24], [sflag:$0x3], $0x4000, $0x38;
	[tilespmem:$0xD1E0] =	vst v63  }
0x76: {  	_ =	swait.ge [sflag:s29], $0x4000  }
0x77: {  	[sflag:s29] =	ssyncset.done $0x0  }
0x78: {  	s17 =	simm.s32 $0x3F00;
	[sflag:s29] =	ssyncadd.s32 $0xFFFFC000  }
0x79: {  	[tilespmem:s24], [sflag:$0x1] =	stream.indirect.gather [spmem:s2], $0x80, s17, s22, $0xb8;
	[tilespmem:$0xD1E0] =	vst v63  }
0x7a: {  	_ =	swait.ge [sflag:s31], $0x4000  }
0x7b: {  	[sflag:s31] =	ssyncset.done $0x0  }
0x7c: {  	s18 =	sadd.s32 s30, s14;
	[sflag:s31] =	ssyncadd.s32 $0xFFFFC000  }
0x7d: {  	[hbm4b:s18+s3] =	stream.linear.scatter [tilespmem:s26], [sflag:$0x4], $0x4000, $0x38;
	[tilespmem:$0xD1E0] =	vst v63  }
0x7e: {  	_ =	swait.ge [sflag:s0], $0x4000  }
0x7f: {  	[sflag:s0] =	ssyncset.done $0x0  }
0x80: {  	s20 =	simm.s32 $0x3F80;
	[sflag:s0] =	ssyncadd.s32 $0xFFFFC000  }
0x81: {  	[tilespmem:s26], [sflag:$0x2] =	stream.indirect.gather [spmem:s2], $0x80, s20, s22, $0xb8;
	[tilespmem:$0xD1E0] =	vst v63  }
0x82: {  	_ =	swait.ge [sflag:s28], $0x4000  }
0x83: {  	[sflag:s28] =	ssyncset.done $0x0  }
0x84: {  	s17 =	sadd.s32 s30, s15;
	[sflag:s28] =	ssyncadd.s32 $0xFFFFC000  }
0x85: {  	[hbm4b:s17+s3] =	stream.linear.scatter [tilespmem:s24], [sflag:$0x3], $0x4000, $0x38;
	[tilespmem:$0xD1E0] =	vst v63  }
0x86: {  	_ =	swait.ge [sflag:s29], $0x4000  }
0x87: {  	[sflag:s29] =	ssyncset.done $0x0  }
0x88: {  	s18 =	simm.s32 $0x4000;
	[sflag:s29] =	ssyncadd.s32 $0xFFFFC000  }
0x89: {  	[tilespmem:s24], [sflag:$0x1] =	stream.indirect.gather [spmem:s2], $0x80, s18, s22, $0xb8;
	[tilespmem:$0xD1E0] =	vst v63  }
0x8a: {  	_ =	swait.ge [sflag:s31], $0x4000  }
0x8b: {  	[sflag:s31] =	ssyncset.done $0x0  }
0x8c: {  	s20 =	sadd.s32 s30, s16;
	[sflag:s31] =	ssyncadd.s32 $0xFFFFC000  }
0x8d: {  	[hbm4b:s20+s3] =	stream.linear.scatter [tilespmem:s26], [sflag:$0x4], $0x4000, $0x38;
	[tilespmem:$0xD1E0] =	vst v63  }
0x8e: {  	_ =	swait.ge [sflag:s0], $0x4000  }
0x8f: {  	[sflag:s0] =	ssyncset.done $0x0  }
0x90: {  	s25 =	smul.u32 $0xA0000, s25;
	s30 =	simm.s32 $0x4080;
	[sflag:s0] =	ssyncadd.s32 $0xFFFFC000  }
0x91: {  	[tilespmem:s26], [sflag:$0x2] =	stream.indirect.gather [spmem:s2], $0x80, s30, s22, $0xb8;
	[tilespmem:$0xD1E0] =	vst v63  }
0x92: {  	s8 =	sshrl.u32 s25, $0x3;
	_ =	swait.ge [sflag:s28], $0x4000  }
0x93: {  	s25 =	sadd.s32 s1, s8;
	[sflag:s28] =	ssyncset.done $0x0  }
0x94: {  	s8 =	sadd.s32 $0x4000, s25;
	[sflag:s28] =	ssyncadd.s32 $0xFFFFC000  }
0x95: {  	[hbm4b:s8+s3] =	stream.linear.scatter [tilespmem:s24], [sflag:$0x3], $0x4000, $0x38;
	[tilespmem:$0xD1E0] =	vst v63  }
0x96: {  	_ =	swait.ge [sflag:s29], $0x4000  }
0x97: {  	[sflag:s29] =	ssyncset.done $0x0  }
0x98: {  	s17 =	simm.s32 $0x4100;
	[sflag:s29] =	ssyncadd.s32 $0xFFFFC000  }
0x99: {  	[tilespmem:s24], [sflag:$0x1] =	stream.indirect.gather [spmem:s2], $0x80, s17, s22, $0xb8;
	[tilespmem:$0xD1E0] =	vst v63  }
0x9a: {  	_ =	swait.ge [sflag:s31], $0x4000  }
0x9b: {  	[sflag:s31] =	ssyncset.done $0x0  }
0x9c: {  	s18 =	sadd.s32 $0x4800, s25;
	[sflag:s31] =	ssyncadd.s32 $0xFFFFC000  }
0x9d: {  	[hbm4b:s18+s3] =	stream.linear.scatter [tilespmem:s26], [sflag:$0x4], $0x4000, $0x38;
	[tilespmem:$0xD1E0] =	vst v63  }
0x9e: {  	_ =	swait.ge [sflag:s0], $0x4000  }
0x9f: {  	[sflag:s0] =	ssyncset.done $0x0  }
0xa0: {  	s20 =	simm.s32 $0x4180;
	[sflag:s0] =	ssyncadd.s32 $0xFFFFC000  }
0xa1: {  	[tilespmem:s26], [sflag:$0x2] =	stream.indirect.gather [spmem:s2], $0x80, s20, s22, $0xb8;
	[tilespmem:$0xD1E0] =	vst v63  }
0xa2: {  	_ =	swait.ge [sflag:s28], $0x4000  }
0xa3: {  	[sflag:s28] =	ssyncset.done $0x0  }
0xa4: {  	s30 =	sadd.s32 $0x5000, s25;
	[sflag:s28] =	ssyncadd.s32 $0xFFFFC000  }
0xa5: {  	[hbm4b:s30+s3] =	stream.linear.scatter [tilespmem:s24], [sflag:$0x3], $0x4000, $0x38;
	[tilespmem:$0xD1E0] =	vst v63  }
0xa6: {  	_ =	swait.ge [sflag:s29], $0x4000  }
0xa7: {  	[sflag:s29] =	ssyncset.done $0x0  }
0xa8: {  	s17 =	simm.s32 $0x4200;
	[sflag:s29] =	ssyncadd.s32 $0xFFFFC000  }
0xa9: {  	[tilespmem:s24], [sflag:$0x1] =	stream.indirect.gather [spmem:s2], $0x80, s17, s22, $0xb8;
	[tilespmem:$0xD1E0] =	vst v63  }
0xaa: {  	_ =	swait.ge [sflag:s31], $0x4000  }
0xab: {  	[sflag:s31] =	ssyncset.done $0x0  }
0xac: {  	s18 =	sadd.s32 $0x5800, s25;
	[sflag:s31] =	ssyncadd.s32 $0xFFFFC000  }
0xad: {  	[hbm4b:s18+s3] =	stream.linear.scatter [tilespmem:s26], [sflag:$0x4], $0x4000, $0x38;
	[tilespmem:$0xD1E0] =	vst v63  }
0xae: {  	_ =	swait.ge [sflag:s0], $0x4000  }
0xaf: {  	[sflag:s0] =	ssyncset.done $0x0  }
0xb0: {  	s20 =	simm.s32 $0x4280;
	[sflag:s0] =	ssyncadd.s32 $0xFFFFC000  }
0xb1: {  	[tilespmem:s26], [sflag:$0x2] =	stream.indirect.gather [spmem:s2], $0x80, s20, s22, $0xb8;
	[tilespmem:$0xD1E0] =	vst v63  }
0xb2: {  	_ =	swait.ge [sflag:s28], $0x4000  }
0xb3: {  	[sflag:s28] =	ssyncset.done $0x0  }
0xb4: {  	s30 =	sadd.s32 $0x6000, s25;
	[sflag:s28] =	ssyncadd.s32 $0xFFFFC000  }
0xb5: {  	[hbm4b:s30+s3] =	stream.linear.scatter [tilespmem:s24], [sflag:$0x3], $0x4000, $0x38;
	[tilespmem:$0xD1E0] =	vst v63  }
0xb6: {  	_ =	swait.ge [sflag:s29], $0x4000  }
0xb7: {  	[sflag:s29] =	ssyncset.done $0x0  }
0xb8: {  	s17 =	simm.s32 $0x4300;
	[sflag:s29] =	ssyncadd.s32 $0xFFFFC000  }
0xb9: {  	[tilespmem:s24], [sflag:$0x1] =	stream.indirect.gather [spmem:s2], $0x80, s17, s22, $0xb8;
	[tilespmem:$0xD1E0] =	vst v63  }
0xba: {  	_ =	swait.ge [sflag:s31], $0x4000  }
0xbb: {  	[sflag:s31] =	ssyncset.done $0x0  }
0xbc: {  	s18 =	sadd.s32 $0x6800, s25;
	[sflag:s31] =	ssyncadd.s32 $0xFFFFC000  }
0xbd: {  	[hbm4b:s18+s3] =	stream.linear.scatter [tilespmem:s26], [sflag:$0x4], $0x4000, $0x38;
	[tilespmem:$0xD1E0] =	vst v63  }
0xbe: {  	_ =	swait.ge [sflag:s0], $0x4000  }
0xbf: {  	[sflag:s0] =	ssyncset.done $0x0  }
0xc0: {  	s20 =	simm.s32 $0x4380;
	[sflag:s0] =	ssyncadd.s32 $0xFFFFC000  }
0xc1: {  	[tilespmem:s26], [sflag:$0x2] =	stream.indirect.gather [spmem:s2], $0x80, s20, s22, $0xb8;
	[tilespmem:$0xD1E0] =	vst v63  }
0xc2: {  	_ =	swait.ge [sflag:s28], $0x4000  }
0xc3: {  	[sflag:s28] =	ssyncset.done $0x0  }
0xc4: {  	s30 =	sadd.s32 $0x7000, s25;
	[sflag:s28] =	ssyncadd.s32 $0xFFFFC000  }
0xc5: {  	[hbm4b:s30+s3] =	stream.linear.scatter [tilespmem:s24], [sflag:$0x3], $0x4000, $0x38;
	[tilespmem:$0xD1E0] =	vst v63  }
0xc6: {  	_ =	swait.ge [sflag:s29], $0x4000  }
0xc7: {  	[sflag:s29] =	ssyncset.done $0x0  }
0xc8: {  	s17 =	simm.s32 $0x4400;
	[sflag:s29] =	ssyncadd.s32 $0xFFFFC000  }
0xc9: {  	[tilespmem:s24], [sflag:$0x1] =	stream.indirect.gather [spmem:s2], $0x80, s17, s22, $0xb8;
	[tilespmem:$0xD1E0] =	vst v63  }
0xca: {  	_ =	swait.ge [sflag:s31], $0x4000  }
0xcb: {  	[sflag:s31] =	ssyncset.done $0x0  }
0xcc: {  	s18 =	sadd.s32 $0x7800, s25;
	[sflag:s31] =	ssyncadd.s32 $0xFFFFC000  }
0xcd: {  	[hbm4b:s18+s3] =	stream.linear.scatter [tilespmem:s26], [sflag:$0x4], $0x4000, $0x38;
	[tilespmem:$0xD1E0] =	vst v63  }
0xce: {  	_ =	swait.ge [sflag:s0], $0x4000  }
0xcf: {  	[sflag:s0] =	ssyncset.done $0x0  }
0xd0: {  	s20 =	simm.s32 $0x4480;
	[sflag:s0] =	ssyncadd.s32 $0xFFFFC000  }
0xd1: {  	[tilespmem:s26], [sflag:$0x2] =	stream.indirect.gather [spmem:s2], $0x80, s20, s22, $0xb8;
	[tilespmem:$0xD1E0] =	vst v63  }
0xd2: {  	_ =	swait.ge [sflag:s28], $0x4000  }
0xd3: {  	[sflag:s28] =	ssyncset.done $0x0  }
0xd4: {  	s30 =	sadd.s32 $0x8000, s25;
	[sflag:s28] =	ssyncadd.s32 $0xFFFFC000  }
0xd5: {  	[hbm4b:s30+s3] =	stream.linear.scatter [tilespmem:s24], [sflag:$0x3], $0x4000, $0x38;
	[tilespmem:$0xD1E0] =	vst v63  }
0xd6: {  	_ =	swait.ge [sflag:s29], $0x4000  }
0xd7: {  	[sflag:s29] =	ssyncset.done $0x0  }
0xd8: {  	s17 =	simm.s32 $0x4500;
	[sflag:s29] =	ssyncadd.s32 $0xFFFFC000  }
0xd9: {  	[tilespmem:s24], [sflag:$0x1] =	stream.indirect.gather [spmem:s2], $0x80, s17, s22, $0xb8;
	[tilespmem:$0xD1E0] =	vst v63  }
0xda: {  	_ =	swait.ge [sflag:s31], $0x4000  }
0xdb: {  	[sflag:s31] =	ssyncset.done $0x0  }
0xdc: {  	s18 =	sadd.s32 $0x8800, s25;
	[sflag:s31] =	ssyncadd.s32 $0xFFFFC000  }
0xdd: {  	[hbm4b:s18+s3] =	stream.linear.scatter [tilespmem:s26], [sflag:$0x4], $0x4000, $0x38;
	[tilespmem:$0xD1E0] =	vst v63  }
0xde: {  	_ =	swait.ge [sflag:s0], $0x4000  }
0xdf: {  	[sflag:s0] =	ssyncset.done $0x0  }
0xe0: {  	s20 =	simm.s32 $0x4580;
	[sflag:s0] =	ssyncadd.s32 $0xFFFFC000  }
0xe1: {  	[tilespmem:s26], [sflag:$0x2] =	stream.indirect.gather [spmem:s2], $0x80, s20, s22, $0xb8;
	[tilespmem:$0xD1E0] =	vst v63  }
0xe2: {  	_ =	swait.ge [sflag:s28], $0x4000  }
0xe3: {  	[sflag:s28] =	ssyncset.done $0x0  }
0xe4: {  	s30 =	sadd.s32 $0x9000, s25;
	[sflag:s28] =	ssyncadd.s32 $0xFFFFC000  }
0xe5: {  	[hbm4b:s30+s3] =	stream.linear.scatter [tilespmem:s24], [sflag:$0x3], $0x4000, $0x38;
	[tilespmem:$0xD1E0] =	vst v63  }
0xe6: {  	_ =	swait.ge [sflag:s29], $0x4000  }
0xe7: {  	[sflag:s29] =	ssyncset.done $0x0  }
0xe8: {  	s17 =	simm.s32 $0x4600;
	[sflag:s29] =	ssyncadd.s32 $0xFFFFC000  }
0xe9: {  	[tilespmem:s24], [sflag:$0x1] =	stream.indirect.gather [spmem:s2], $0x80, s17, s22, $0xb8;
	[tilespmem:$0xD1E0] =	vst v63  }
0xea: {  	_ =	swait.ge [sflag:s31], $0x4000  }
0xeb: {  	[sflag:s31] =	ssyncset.done $0x0  }
0xec: {  	s18 =	sadd.s32 $0x9800, s25;
	[sflag:s31] =	ssyncadd.s32 $0xFFFFC000  }
0xed: {  	[hbm4b:s18+s3] =	stream.linear.scatter [tilespmem:s26], [sflag:$0x4], $0x4000, $0x38;
	[tilespmem:$0xD1E0] =	vst v63  }
0xee: {  	_ =	swait.ge [sflag:s0], $0x4000  }
0xef: {  	[sflag:s0] =	ssyncset.done $0x0  }
0xf0: {  	s20 =	simm.s32 $0x4680;
	[sflag:s0] =	ssyncadd.s32 $0xFFFFC000  }
0xf1: {  	[tilespmem:s26], [sflag:$0x2] =	stream.indirect.gather [spmem:s2], $0x80, s20, s22, $0xb8;
	[tilespmem:$0xD1E0] =	vst v63  }
0xf2: {  	_ =	swait.ge [sflag:s28], $0x4000  }
0xf3: {  	[sflag:s28] =	ssyncset.done $0x0  }
0xf4: {  	s30 =	sadd.s32 $0xA000, s25;
	[sflag:s28] =	ssyncadd.s32 $0xFFFFC000  }
0xf5: {  	[hbm4b:s30+s3] =	stream.linear.scatter [tilespmem:s24], [sflag:$0x3], $0x4000, $0x38;
	[tilespmem:$0xD1E0] =	vst v63  }
0xf6: {  	_ =	swait.ge [sflag:s29], $0x4000  }
0xf7: {  	[sflag:s29] =	ssyncset.done $0x0  }
0xf8: {  	s17 =	simm.s32 $0x4700;
	[sflag:s29] =	ssyncadd.s32 $0xFFFFC000  }
0xf9: {  	[tilespmem:s24], [sflag:$0x1] =	stream.indirect.gather [spmem:s2], $0x80, s17, s22, $0xb8;
	[tilespmem:$0xD1E0] =	vst v63  }
0xfa: {  	_ =	swait.ge [sflag:s31], $0x4000  }
0xfb: {  	[sflag:s31] =	ssyncset.done $0x0  }
0xfc: {  	s18 =	sadd.s32 $0xA800, s25;
	[sflag:s31] =	ssyncadd.s32 $0xFFFFC000  }
0xfd: {  	[hbm4b:s18+s3] =	stream.linear.scatter [tilespmem:s26], [sflag:$0x4], $0x4000, $0x38;
	[tilespmem:$0xD1E0] =	vst v63  }
0xfe: {  	_ =	swait.ge [sflag:s0], $0x4000  }
0xff: {  	[sflag:s0] =	ssyncset.done $0x0  }
0x100: {  	s20 =	simm.s32 $0x4780;
	[sflag:s0] =	ssyncadd.s32 $0xFFFFC000  }
0x101: {  	[tilespmem:s26], [sflag:$0x2] =	stream.indirect.gather [spmem:s2], $0x80, s20, s22, $0xb8;
	[tilespmem:$0xD1E0] =	vst v63  }
0x102: {  	_ =	swait.ge [sflag:s28], $0x4000  }
0x103: {  	[sflag:s28] =	ssyncset.done $0x0  }
0x104: {  	s30 =	sadd.s32 $0xB000, s25;
	[sflag:s28] =	ssyncadd.s32 $0xFFFFC000  }
0x105: {  	[hbm4b:s30+s3] =	stream.linear.scatter [tilespmem:s24], [sflag:$0x3], $0x4000, $0x38;
	[tilespmem:$0xD1E0] =	vst v63  }
0x106: {  	_ =	swait.ge [sflag:s29], $0x4000  }
0x107: {  	[sflag:s29] =	ssyncset.done $0x0  }
0x108: {  	s17 =	simm.s32 $0x4800;
	[sflag:s29] =	ssyncadd.s32 $0xFFFFC000  }
0x109: {  	[tilespmem:s24], [sflag:$0x1] =	stream.indirect.gather [spmem:s2], $0x80, s17, s22, $0xb8;
	[tilespmem:$0xD1E0] =	vst v63  }
0x10a: {  	_ =	swait.ge [sflag:s31], $0x4000  }
0x10b: {  	[sflag:s31] =	ssyncset.done $0x0  }
0x10c: {  	s18 =	sadd.s32 $0xB800, s25;
	[sflag:s31] =	ssyncadd.s32 $0xFFFFC000  }
0x10d: {  	[hbm4b:s18+s3] =	stream.linear.scatter [tilespmem:s26], [sflag:$0x4], $0x4000, $0x38;
	[tilespmem:$0xD1E0] =	vst v63  }
0x10e: {  	_ =	swait.ge [sflag:s0], $0x4000  }
0x10f: {  	[sflag:s0] =	ssyncset.done $0x0  }
0x110: {  	s20 =	simm.s32 $0x4880;
	[sflag:s0] =	ssyncadd.s32 $0xFFFFC000  }
0x111: {  	[tilespmem:s26], [sflag:$0x2] =	stream.indirect.gather [spmem:s2], $0x80, s20, s22, $0xb8;
	[tilespmem:$0xD1E0] =	vst v63  }
0x112: {  	_ =	swait.ge [sflag:s28], $0x4000  }
0x113: {  	[sflag:s28] =	ssyncset.done $0x0  }
0x114: {  	s30 =	sadd.s32 $0xC000, s25;
	[sflag:s28] =	ssyncadd.s32 $0xFFFFC000  }
0x115: {  	[hbm4b:s30+s3] =	stream.linear.scatter [tilespmem:s24], [sflag:$0x3], $0x4000, $0x38;
	[tilespmem:$0xD1E0] =	vst v63  }
0x116: {  	_ =	swait.ge [sflag:s29], $0x4000  }
0x117: {  	[sflag:s29] =	ssyncset.done $0x0  }
0x118: {  	s17 =	simm.s32 $0x4900;
	[sflag:s29] =	ssyncadd.s32 $0xFFFFC000  }
0x119: {  	[tilespmem:s24], [sflag:$0x1] =	stream.indirect.gather [spmem:s2], $0x80, s17, s22, $0xb8;
	[tilespmem:$0xD1E0] =	vst v63  }
0x11a: {  	_ =	swait.ge [sflag:s31], $0x4000  }
0x11b: {  	[sflag:s31] =	ssyncset.done $0x0  }
0x11c: {  	s18 =	sadd.s32 $0xC800, s25;
	[sflag:s31] =	ssyncadd.s32 $0xFFFFC000  }
0x11d: {  	[hbm4b:s18+s3] =	stream.linear.scatter [tilespmem:s26], [sflag:$0x4], $0x4000, $0x38;
	[tilespmem:$0xD1E0] =	vst v63  }
0x11e: {  	_ =	swait.ge [sflag:s0], $0x4000  }
0x11f: {  	[sflag:s0] =	ssyncset.done $0x0  }
0x120: {  	s20 =	simm.s32 $0x4980;
	[sflag:s0] =	ssyncadd.s32 $0xFFFFC000  }
0x121: {  	[tilespmem:s26], [sflag:$0x2] =	stream.indirect.gather [spmem:s2], $0x80, s20, s22, $0xb8;
	[tilespmem:$0xD1E0] =	vst v63  }
0x122: {  	_ =	swait.ge [sflag:s28], $0x4000  }
0x123: {  	[sflag:s28] =	ssyncset.done $0x0  }
0x124: {  	s30 =	sadd.s32 $0xD000, s25;
	[sflag:s28] =	ssyncadd.s32 $0xFFFFC000  }
0x125: {  	[hbm4b:s30+s3] =	stream.linear.scatter [tilespmem:s24], [sflag:$0x3], $0x4000, $0x38;
	[tilespmem:$0xD1E0] =	vst v63  }
0x126: {  	_ =	swait.ge [sflag:s29], $0x4000  }
0x127: {  	[sflag:s29] =	ssyncset.done $0x0  }
0x128: {  	s17 =	simm.s32 $0x4A00;
	[sflag:s29] =	ssyncadd.s32 $0xFFFFC000  }
0x129: {  	[tilespmem:s24], [sflag:$0x1] =	stream.indirect.gather [spmem:s2], $0x80, s17, s22, $0xb8;
	[tilespmem:$0xD1E0] =	vst v63  }
0x12a: {  	_ =	swait.ge [sflag:s31], $0x4000  }
0x12b: {  	[sflag:s31] =	ssyncset.done $0x0  }
0x12c: {  	s18 =	sadd.s32 $0xD800, s25;
	[sflag:s31] =	ssyncadd.s32 $0xFFFFC000  }
0x12d: {  	[hbm4b:s18+s3] =	stream.linear.scatter [tilespmem:s26], [sflag:$0x4], $0x4000, $0x38;
	[tilespmem:$0xD1E0] =	vst v63  }
0x12e: {  	_ =	swait.ge [sflag:s0], $0x4000  }
0x12f: {  	[sflag:s0] =	ssyncset.done $0x0  }
0x130: {  	s20 =	simm.s32 $0x4A80;
	[sflag:s0] =	ssyncadd.s32 $0xFFFFC000  }
0x131: {  	[tilespmem:s26], [sflag:$0x2] =	stream.indirect.gather [spmem:s2], $0x80, s20, s22, $0xb8;
	[tilespmem:$0xD1E0] =	vst v63  }
0x132: {  	_ =	swait.ge [sflag:s28], $0x4000  }
0x133: {  	[sflag:s28] =	ssyncset.done $0x0  }
0x134: {  	s30 =	sadd.s32 $0xE000, s25;
	[sflag:s28] =	ssyncadd.s32 $0xFFFFC000  }
0x135: {  	[hbm4b:s30+s3] =	stream.linear.scatter [tilespmem:s24], [sflag:$0x3], $0x4000, $0x38;
	[tilespmem:$0xD1E0] =	vst v63  }
0x136: {  	_ =	swait.ge [sflag:s29], $0x4000  }
0x137: {  	[sflag:s29] =	ssyncset.done $0x0  }
0x138: {  	s17 =	simm.s32 $0x4B00;
	[sflag:s29] =	ssyncadd.s32 $0xFFFFC000  }
0x139: {  	[tilespmem:s24], [sflag:$0x1] =	stream.indirect.gather [spmem:s2], $0x80, s17, s22, $0xb8;
	[tilespmem:$0xD1E0] =	vst v63  }
0x13a: {  	_ =	swait.ge [sflag:s31], $0x4000  }
0x13b: {  	[sflag:s31] =	ssyncset.done $0x0  }
0x13c: {  	s18 =	sadd.s32 $0xE800, s25;
	[sflag:s31] =	ssyncadd.s32 $0xFFFFC000  }
0x13d: {  	[hbm4b:s18+s3] =	stream.linear.scatter [tilespmem:s26], [sflag:$0x4], $0x4000, $0x38;
	[tilespmem:$0xD1E0] =	vst v63  }
0x13e: {  	_ =	swait.ge [sflag:s0], $0x4000  }
0x13f: {  	[sflag:s0] =	ssyncset.done $0x0  }
0x140: {  	s20 =	simm.s32 $0x4B80;
	[sflag:s0] =	ssyncadd.s32 $0xFFFFC000  }
0x141: {  	[tilespmem:s26], [sflag:$0x2] =	stream.indirect.gather [spmem:s2], $0x80, s20, s22, $0xb8;
	[tilespmem:$0xD1E0] =	vst v63  }
0x142: {  	_ =	swait.ge [sflag:s28], $0x4000  }
0x143: {  	[sflag:s28] =	ssyncset.done $0x0  }
0x144: {  	s30 =	sadd.s32 $0xF000, s25;
	[sflag:s28] =	ssyncadd.s32 $0xFFFFC000  }
0x145: {  	[hbm4b:s30+s3] =	stream.linear.scatter [tilespmem:s24], [sflag:$0x3], $0x4000, $0x38;
	[tilespmem:$0xD1E0] =	vst v63  }
0x146: {  	_ =	swait.ge [sflag:s29], $0x4000  }
0x147: {  	[sflag:s29] =	ssyncset.done $0x0  }
0x148: {  	s17 =	simm.s32 $0x4C00;
	[sflag:s29] =	ssyncadd.s32 $0xFFFFC000  }
0x149: {  	[tilespmem:s24], [sflag:$0x1] =	stream.indirect.gather [spmem:s2], $0x80, s17, s22, $0xb8;
	[tilespmem:$0xD1E0] =	vst v63  }
0x14a: {  	_ =	swait.ge [sflag:s31], $0x4000  }
0x14b: {  	[sflag:s31] =	ssyncset.done $0x0  }
0x14c: {  	s18 =	sadd.s32 $0xF800, s25;
	[sflag:s31] =	ssyncadd.s32 $0xFFFFC000  }
0x14d: {  	[hbm4b:s18+s3] =	stream.linear.scatter [tilespmem:s26], [sflag:$0x4], $0x4000, $0x38;
	[tilespmem:$0xD1E0] =	vst v63  }
0x14e: {  	_ =	swait.ge [sflag:s0], $0x4000  }
0x14f: {  	[sflag:s0] =	ssyncset.done $0x0  }
0x150: {  	s20 =	simm.s32 $0x4C80;
	[sflag:s0] =	ssyncadd.s32 $0xFFFFC000  }
0x151: {  	[tilespmem:s26], [sflag:$0x2] =	stream.indirect.gather [spmem:s2], $0x80, s20, s22, $0xb8;
	[tilespmem:$0xD1E0] =	vst v63  }
0x152: {  	_ =	swait.ge [sflag:s28], $0x4000  }
0x153: {  	[sflag:s28] =	ssyncset.done $0x0  }
0x154: {  	s30 =	sadd.s32 $0x10000, s25;
	[sflag:s28] =	ssyncadd.s32 $0xFFFFC000  }
0x155: {  	[hbm4b:s30+s3] =	stream.linear.scatter [tilespmem:s24], [sflag:$0x3], $0x4000, $0x38;
	[tilespmem:$0xD1E0] =	vst v63  }
0x156: {  	_ =	swait.ge [sflag:s29], $0x4000  }
0x157: {  	[sflag:s29] =	ssyncset.done $0x0  }
0x158: {  	s17 =	simm.s32 $0x4D00;
	[sflag:s29] =	ssyncadd.s32 $0xFFFFC000  }
0x159: {  	[tilespmem:s24], [sflag:$0x1] =	stream.indirect.gather [spmem:s2], $0x80, s17, s22, $0xb8;
	[tilespmem:$0xD1E0] =	vst v63  }
0x15a: {  	_ =	swait.ge [sflag:s31], $0x4000  }
0x15b: {  	[sflag:s31] =	ssyncset.done $0x0  }
0x15c: {  	s18 =	sadd.s32 $0x10800, s25;
	[sflag:s31] =	ssyncadd.s32 $0xFFFFC000  }
0x15d: {  	[hbm4b:s18+s3] =	stream.linear.scatter [tilespmem:s26], [sflag:$0x4], $0x4000, $0x38;
	[tilespmem:$0xD1E0] =	vst v63  }
0x15e: {  	_ =	swait.ge [sflag:s0], $0x4000  }
0x15f: {  	[sflag:s0] =	ssyncset.done $0x0  }
0x160: {  	s20 =	simm.s32 $0x4D80;
	[sflag:s0] =	ssyncadd.s32 $0xFFFFC000  }
0x161: {  	[tilespmem:s26], [sflag:$0x2] =	stream.indirect.gather [spmem:s2], $0x80, s20, s22, $0xb8;
	[tilespmem:$0xD1E0] =	vst v63  }
0x162: {  	_ =	swait.ge [sflag:s28], $0x4000  }
0x163: {  	[sflag:s28] =	ssyncset.done $0x0  }
0x164: {  	s30 =	sadd.s32 $0x11000, s25;
	[sflag:s28] =	ssyncadd.s32 $0xFFFFC000  }
0x165: {  	[hbm4b:s30+s3] =	stream.linear.scatter [tilespmem:s24], [sflag:$0x3], $0x4000, $0x38;
	[tilespmem:$0xD1E0] =	vst v63  }
0x166: {  	_ =	swait.ge [sflag:s29], $0x4000  }
0x167: {  	[sflag:s29] =	ssyncset.done $0x0  }
0x168: {  	s17 =	simm.s32 $0x4E00;
	[sflag:s29] =	ssyncadd.s32 $0xFFFFC000  }
0x169: {  	[tilespmem:s24], [sflag:$0x1] =	stream.indirect.gather [spmem:s2], $0x80, s17, s22, $0xb8;
	[tilespmem:$0xD1E0] =	vst v63  }
0x16a: {  	_ =	swait.ge [sflag:s31], $0x4000  }
0x16b: {  	[sflag:s31] =	ssyncset.done $0x0  }
0x16c: {  	s18 =	sadd.s32 $0x11800, s25;
	[sflag:s31] =	ssyncadd.s32 $0xFFFFC000  }
0x16d: {  	[hbm4b:s18+s3] =	stream.linear.scatter [tilespmem:s26], [sflag:$0x4], $0x4000, $0x38;
	[tilespmem:$0xD1E0] =	vst v63  }
0x16e: {  	_ =	swait.ge [sflag:s0], $0x4000  }
0x16f: {  	[sflag:s0] =	ssyncset.done $0x0  }
0x170: {  	s20 =	simm.s32 $0x4E80;
	[sflag:s0] =	ssyncadd.s32 $0xFFFFC000  }
0x171: {  	[tilespmem:s26], [sflag:$0x2] =	stream.indirect.gather [spmem:s2], $0x80, s20, s22, $0xb8;
	[tilespmem:$0xD1E0] =	vst v63  }
0x172: {  	_ =	swait.ge [sflag:s28], $0x4000  }
0x173: {  	[sflag:s28] =	ssyncset.done $0x0  }
0x174: {  	s30 =	sadd.s32 $0x12000, s25;
	[sflag:s28] =	ssyncadd.s32 $0xFFFFC000  }
0x175: {  	[hbm4b:s30+s3] =	stream.linear.scatter [tilespmem:s24], [sflag:$0x3], $0x4000, $0x38;
	[tilespmem:$0xD1E0] =	vst v63  }
0x176: {  	_ =	swait.ge [sflag:s29], $0x4000  }
0x177: {  	[sflag:s29] =	ssyncset.done $0x0  }
0x178: {  	s17 =	simm.s32 $0x4F00;
	[sflag:s29] =	ssyncadd.s32 $0xFFFFC000  }
0x179: {  	[tilespmem:s24], [sflag:$0x1] =	stream.indirect.gather [spmem:s2], $0x80, s17, s22, $0xb8;
	[tilespmem:$0xD1E0] =	vst v63  }
0x17a: {  	_ =	swait.ge [sflag:s31], $0x4000  }
0x17b: {  	[sflag:s31] =	ssyncset.done $0x0  }
0x17c: {  	s18 =	sadd.s32 $0x12800, s25;
	[sflag:s31] =	ssyncadd.s32 $0xFFFFC000  }
0x17d: {  	[hbm4b:s18+s3] =	stream.linear.scatter [tilespmem:s26], [sflag:$0x4], $0x4000, $0x38;
	[tilespmem:$0xD1E0] =	vst v63  }
0x17e: {  	_ =	swait.ge [sflag:s0], $0x4000  }
0x17f: {  	[sflag:s0] =	ssyncset.done $0x0  }
0x180: {  	[sflag:s0] =	ssyncadd.s32 $0xFFFFC000  }
0x181: {  	[tilespmem:s26], [sflag:$0x2] =	stream.indirect.gather [spmem:s2], $0x80, s21, s22, $0xb8;
	[tilespmem:$0xD1E0] =	vst v63  }
0x182: {  	_ =	swait.ge [sflag:s28], $0x4000  }
0x183: {  	[sflag:s28] =	ssyncset.done $0x0  }
0x184: {  	s20 =	sadd.s32 $0x13000, s25;
	[sflag:s28] =	ssyncadd.s32 $0xFFFFC000  }
0x185: {  	[hbm4b:s20+s3] =	stream.linear.scatter [tilespmem:s24], [sflag:$0x3], $0x4000, $0x38;
	[tilespmem:$0xD1E0] =	vst v63  }
0x186: {  	_ =	swait.ge [sflag:s31], $0x4000  }
0x187: {  	[sflag:s31] =	ssyncset.done $0x0  }
0x188: {  	s30 =	sadd.s32 $0x13800, s25;
	[sflag:s31] =	ssyncadd.s32 $0xFFFFC000  }
0x189: {  	[hbm4b:s30+s3] =	stream.linear.scatter [tilespmem:s26], [sflag:$0x4], $0x4000, $0x38;
	[tilespmem:$0xD1E0] =	vst v63  }
0x18a: {  	_ =	swait.ge [sflag:s29], $0x4000  }
.Ltmp6:
0x18b: {  	[sflag:s29] =	ssyncset.done $0x0;
	(pc) =	sbr.rel .LBB2_6-.Ltmp6, $4  }
0x18c: {  	[sflag:s29] =	ssyncadd.s32 $0xFFFFC000  }
0x18d: {  	_ =	swait.ge [sflag:s0], $0x4000  }
0x18e: {  	[sflag:s0] =	ssyncset.done $0x0  }
0x18f: {  	[sflag:s0] =	ssyncadd.s32 $0xFFFFC000  }
.LBB2_8:
0x190: {  	_ =	sfence.sel $0x180000  }
0x191: {  	[bflag:$0x0] =	sbarrier.arrive $0xFFFF  }
0x192: {  	_ =	strace $0x90000047  }
0x193: {  	[bflag:$0x2] =	sbarrier.arrive $0xFFFF  }
0x194: {  	s0 =	rddreg [dreg:$0x3]  }
0x195: {  	s0 =	sadd.s32 @!p0 $0x100000, s0  }
0x196: {  	[sflag:s0] =	ssyncadd.tile.s32 @!p0 $0x1;
	_ =	shalt  }
.Lfunc_end2:
_tile_overlayer_lowered:
.L_overlay_start_2:
0x197: {  	(tag) =	ssettag $0x2  }
0x198: {  	s0 =	rddreg [dreg:$0x0];
	s2 =	stileid.u32  }
0x199: {  	s1 =	rddreg [dreg:$0x1];
	p0 =	sne.s32 s2, $0x0  }
0x19a: {  	s3 =	rddreg [dreg:$0x2];
	[bflag:$0x3] =	sbarrier.arrive $0xFFFF;
	s2 =	simm.s32 @!p0 $0x1C05  }
0x19b: {  	[timem:s3], [sflag:s2] =	dma.local @!p0 [hbm:s0], s1  }
0x19c: {  	s0 =	simm.s32 @!p0 $0x5  }
0x19d: {  	_ =	swait.ge @!p0 [sflag:s0], s1  }
0x19e: {  	s1 =	ssub.s32 @!p0 $0x0, s1;
	[sflag:s0] =	ssyncset.done @!p0 $0x0  }
0x19f: {  	[sflag:s0] =	ssyncadd.s32 @!p0 s1  }
0x1a0: {  	[bflag:$0x3] =	sbarrier.arrive $0xFFFF  }
0x1a1: {  	_ =	shalt  }

</sc_bundles>
